<compile_context>
chip_gen: v7x
topology: tpu7x:2x2x1
jax: 0.10.2.dev20260603
libtpu: 0.0.44.dev20260713+nightly
codegen_flags: <defaults>
</compile_context>

<pallas_src>
import functools

import jax
import jax.numpy as jnp
from jax import lax
from jax.experimental import pallas as pl
from jax.experimental.pallas import tpu as pltpu
from jax.experimental.pallas import tpu_sc as plsc

N = 2048
D = 768
H = 3072
E = 8
K = 2
B = 128
P = N * K + E * B
NB = P // B
NW = 32
L = 16


def _gelu_tanh(x):
    return 0.5 * x * (1.0 + jnp.tanh(jnp.sqrt(2.0 / jnp.pi) * (x + 0.044715 * x ** 3)))



def _gate_body(x_ref, wg_ref, bg_ref,
               pos0_ref, pos1_ref, w0_ref, w1_ref, be_ref):
    x = x_ref[...]
    logits = lax.dot_general(
        x, wg_ref[...], (((1,), (0,)), ((), ())),
        preferred_element_type=jnp.float32) + bg_ref[...]
    m = jnp.max(logits, axis=-1, keepdims=True)
    ex = jnp.exp(logits - m)
    p = ex / jnp.sum(ex, axis=-1, keepdims=True)

    iota8 = lax.broadcasted_iota(jnp.int32, (N, E), 1)
    m1 = jnp.max(p, axis=-1, keepdims=True)
    a1 = jnp.min(jnp.where(p == m1, iota8, E), axis=-1, keepdims=True)
    oh1 = iota8 == a1
    pm = jnp.where(oh1, -1.0, p)
    m2 = jnp.max(pm, axis=-1, keepdims=True)
    a2 = jnp.min(jnp.where(pm == m2, iota8, E), axis=-1, keepdims=True)
    oh2 = iota8 == a2

    w0_ref[...] = jnp.sum(jnp.where(oh1, p, 0.0), axis=-1, keepdims=True)
    w1_ref[...] = jnp.sum(jnp.where(oh2, p, 0.0), axis=-1, keepdims=True)

    oh = oh1.astype(jnp.int32) + oh2.astype(jnp.int32)
    c = oh
    k = 1
    while k < N:
        c = c + jnp.concatenate(
            [jnp.zeros((k, E), jnp.int32), c[:N - k, :]], axis=0)
        k *= 2
    cexc = c - oh
    counts = c[N - 1:N, :]

    pc = ((counts + (B - 1)) // B) * B
    ends = pc
    k = 1
    while k < E:
        ends = ends + jnp.concatenate(
            [jnp.zeros((1, k), jnp.int32), ends[:, :E - k]], axis=1)
        k *= 2
    opad = ends - pc

    r0 = jnp.sum(jnp.where(oh1, cexc, 0), axis=-1, keepdims=True)
    r1 = jnp.sum(jnp.where(oh2, cexc, 0), axis=-1, keepdims=True)
    off0 = jnp.sum(jnp.where(oh1, opad, 0), axis=-1, keepdims=True)
    off1 = jnp.sum(jnp.where(oh2, opad, 0), axis=-1, keepdims=True)
    pos0_ref[...] = off0 + r0
    pos1_ref[...] = off1 + r1

    bio = lax.broadcasted_iota(jnp.int32, (1, NB), 1) * B
    acc = jnp.zeros((1, NB), jnp.int32)
    for e in range(E):
        acc = acc + (bio >= ends[:, e:e + 1]).astype(jnp.int32)
    be_ref[...] = jnp.minimum(acc, E - 1)



def _scatter_body(p0_hbm, p1_hbm, w0_hbm, w1_hbm,
                  st_hbm, sw_hbm,
                  st_v, sw_v, p0_v, p1_v, w0_v, w1_v):
    wid = lax.axis_index("s") * 2 + lax.axis_index("c")

    @pl.when(wid == 0)
    def _():
        pltpu.sync_copy(p0_hbm, p0_v)
        pltpu.sync_copy(p1_hbm, p1_v)
        pltpu.sync_copy(w0_hbm, w0_v)
        pltpu.sync_copy(w1_hbm, w1_v)

        zi = jnp.zeros((L,), jnp.int32)
        zf = jnp.zeros((L,), jnp.float32)

        def zbody(i, carry):
            st_v[pl.ds(i * L, L)] = zi
            sw_v[pl.ds(i * L, L)] = zf
            return carry
        lax.fori_loop(0, P // L, zbody, 0)

        iota16 = lax.iota(jnp.int32, L)

        def sbody(i, carry):
            sl = pl.ds(i * L, L)
            tok = i * L + iota16
            idx0 = p0_v[sl]
            plsc.store_scatter(st_v, [idx0], tok)
            plsc.store_scatter(sw_v, [idx0], w0_v[sl])
            idx1 = p1_v[sl]
            plsc.store_scatter(st_v, [idx1], tok)
            plsc.store_scatter(sw_v, [idx1], w1_v[sl])
            return carry
        lax.fori_loop(0, N // L, sbody, 0)

        pltpu.sync_copy(st_v, st_hbm)
        pltpu.sync_copy(sw_v, sw_hbm)



_B_PER_W = P // NW


def _gather_body(x_hbm, st_hbm, xs_hbm, idx_v, rows_v, sem):
    wid = lax.axis_index("s") * 2 + lax.axis_index("c")
    base = wid * _B_PER_W
    pltpu.sync_copy(st_hbm.at[pl.ds(base, _B_PER_W)], idx_v)
    pltpu.async_copy(x_hbm.at[idx_v], rows_v, sem).wait()
    pltpu.sync_copy(rows_v, xs_hbm.at[pl.ds(base, _B_PER_W)])



def _moe_body(be_ref, xs_ref, w1_ref, b1_ref, w2_ref, b2_ref, sw_ref, ys_ref):
    xb = xs_ref[...].astype(jnp.bfloat16)
    h = lax.dot_general(
        xb, w1_ref[0], (((1,), (0,)), ((), ())),
        preferred_element_type=jnp.float32) + b1_ref[0]
    h = _gelu_tanh(h)
    y = lax.dot_general(
        h.astype(jnp.bfloat16), w2_ref[0], (((1,), (0,)), ((), ())),
        preferred_element_type=jnp.float32) + b2_ref[0]
    ys_ref[...] = y * sw_ref[...]



_T_PER_W = N // NW


def _combine_body(ys_hbm, p0_hbm, p1_hbm, out_hbm,
                  i0_v, i1_v, r0_v, r1_v, s0, s1):
    wid = lax.axis_index("s") * 2 + lax.axis_index("c")
    base = wid * _T_PER_W
    pltpu.sync_copy(p0_hbm.at[pl.ds(base, _T_PER_W)], i0_v)
    pltpu.sync_copy(p1_hbm.at[pl.ds(base, _T_PER_W)], i1_v)
    cp0 = pltpu.async_copy(ys_hbm.at[i0_v], r0_v, s0)
    cp1 = pltpu.async_copy(ys_hbm.at[i1_v], r1_v, s1)
    cp0.wait()
    cp1.wait()

    def tbody(t, carry):
        for j in range(D // L):
            sl = pl.ds(j * L, L)
            r0_v[t, sl] = r0_v[t, sl] + r1_v[t, sl]
        return carry
    lax.fori_loop(0, _T_PER_W, tbody, 0)

    pltpu.sync_copy(r0_v, out_hbm.at[pl.ds(base, _T_PER_W)])



def kernel(x, Wg, bg, W1, b1, W2, b2):
    f32 = jnp.float32
    i32 = jnp.int32

    pos0, pos1, w0, w1, be = pl.pallas_call(
        _gate_body,
        out_shape=[
            jax.ShapeDtypeStruct((N, 1), i32),
            jax.ShapeDtypeStruct((N, 1), i32),
            jax.ShapeDtypeStruct((N, 1), f32),
            jax.ShapeDtypeStruct((N, 1), f32),
            jax.ShapeDtypeStruct((1, NB), i32),
        ],
    )(x, Wg, bg.reshape(1, E))
    pos0 = pos0.reshape(N)
    pos1 = pos1.reshape(N)
    w0f = w0.reshape(N)
    w1f = w1.reshape(N)
    be = be.reshape(NB)

    mesh = plsc.VectorSubcoreMesh(core_axis_name="c", subcore_axis_name="s")
    sc_params = pltpu.CompilerParams(needs_layout_passes=False)

    scatter_k = pl.kernel(
        _scatter_body,
        out_type=(
            jax.ShapeDtypeStruct((P,), i32),
            jax.ShapeDtypeStruct((P,), f32),
        ),
        mesh=mesh,
        scratch_types=[
            pltpu.VMEM((P,), i32),
            pltpu.VMEM((P,), f32),
            pltpu.VMEM((N,), i32),
            pltpu.VMEM((N,), i32),
            pltpu.VMEM((N,), f32),
            pltpu.VMEM((N,), f32),
        ],
        compiler_params=sc_params,
    )
    sorted_tok, sorted_w = scatter_k(pos0, pos1, w0f, w1f)

    gather_k = pl.kernel(
        _gather_body,
        out_type=jax.ShapeDtypeStruct((P, D), f32),
        mesh=mesh,
        scratch_types=[
            pltpu.VMEM((_B_PER_W,), i32),
            pltpu.VMEM((_B_PER_W, D), f32),
            pltpu.SemaphoreType.DMA,
        ],
        compiler_params=sc_params,
    )
    xs = gather_k(x, sorted_tok)

    grid_spec = pltpu.PrefetchScalarGridSpec(
        num_scalar_prefetch=1,
        grid=(NB,),
        in_specs=[
            pl.BlockSpec((B, D), lambda i, be_s: (i, 0)),
            pl.BlockSpec((1, D, H), lambda i, be_s: (be_s[i], 0, 0)),
            pl.BlockSpec((1, 1, H), lambda i, be_s: (be_s[i], 0, 0)),
            pl.BlockSpec((1, H, D), lambda i, be_s: (be_s[i], 0, 0)),
            pl.BlockSpec((1, 1, D), lambda i, be_s: (be_s[i], 0, 0)),
            pl.BlockSpec((B, 1), lambda i, be_s: (i, 0)),
        ],
        out_specs=pl.BlockSpec((B, D), lambda i, be_s: (i, 0)),
    )
    ys = pl.pallas_call(
        _moe_body,
        grid_spec=grid_spec,
        out_shape=jax.ShapeDtypeStruct((P, D), f32),
    )(be, xs,
      W1.astype(jnp.bfloat16), b1.reshape(E, 1, H),
      W2.astype(jnp.bfloat16), b2.reshape(E, 1, D),
      sorted_w.reshape(P, 1))

    combine_k = pl.kernel(
        _combine_body,
        out_type=jax.ShapeDtypeStruct((N, D), f32),
        mesh=mesh,
        scratch_types=[
            pltpu.VMEM((_T_PER_W,), i32),
            pltpu.VMEM((_T_PER_W,), i32),
            pltpu.VMEM((_T_PER_W, D), f32),
            pltpu.VMEM((_T_PER_W, D), f32),
            pltpu.SemaphoreType.DMA,
            pltpu.SemaphoreType.DMA,
        ],
        compiler_params=sc_params,
    )
    return combine_k(ys, pos0, pos1)

# --- scband reference (transcript-rebuilt; emitter-appended) ---
"""Pipeline reference for scband-mlpmo-e-40939628265544 (READ-ONLY COPY).

The authoritative reference and input builder live on the scoring server;
editing this copy changes nothing except your own understanding.
"""

import jax, jax.numpy as jnp
import numpy as np

N = 2048
D = 768
H = 3072
E = 8
K = 2


def gelu_tanh(x):
    return 0.5 * x * (1.0 + jnp.tanh(jnp.sqrt(2.0 / jnp.pi) * (x + 0.044715 * x ** 3)))


def setup_inputs(seed: int = 0) -> dict:
    key = jax.random.key(seed)
    ks = jax.random.split(key, 8)
    x = jax.random.normal(ks[0], (N, D), dtype=jnp.float32)
    Wg = jax.random.normal(ks[1], (D, E), dtype=jnp.float32) * 0.02
    bg = jnp.zeros((E,), dtype=jnp.float32)
    W1 = jax.random.normal(ks[2], (E, D, H), dtype=jnp.float32) * 0.02
    b1 = jnp.zeros((E, H), dtype=jnp.float32)
    W2 = jax.random.normal(ks[3], (E, H, D), dtype=jnp.float32) * 0.02
    b2 = jnp.zeros((E, D), dtype=jnp.float32)
    return {"x": x, "Wg": Wg, "bg": bg, "W1": W1, "b1": b1, "W2": W2, "b2": b2}


def reference(x, Wg, bg, W1, b1, W2, b2):
    # gate + softmax + per-token top-k routing
    logits = x @ Wg + bg                      # [N, E]
    probs = jax.nn.softmax(logits, axis=-1)   # [N, E]
    weights, indices = jax.lax.top_k(probs, K)  # [N, K], [N, K]
    # dense combine weights: scatter top-k gate probs into [N, E]
    n = x.shape[0]
    combine = jnp.zeros((n, E), dtype=x.dtype).at[jnp.arange(n)[:, None], indices].add(weights)
    # expert MLPs: layer_1 -> tanh-GELU -> layer_2 (computed densely for all experts,
    # math-equivalent to gathering the top-k experts' weights per token)
    h = jnp.einsum('nd,edh->enh', x, W1) + b1[:, None, :]   # [E, N, H]
    h = gelu_tanh(h)
    out_e = jnp.einsum('enh,ehd->end', h, W2) + b2[:, None, :]  # [E, N, D]
    # weighted combine over selected experts (einsum 'b n d, b -> n d' per token)
    out = jnp.einsum('ne,end->nd', combine, out_e)  # [N, D]
    return out

if __name__ == "__main__":
    import jax
    _d = setup_inputs()
    print(jax.jit(kernel)(*tuple(_d.values())))

</pallas_src>

<mosaic_0001>
#map = affine_map<(d0, d1) -> (0, 0)>
#map1 = affine_map<(d0, d1) -> (0)>
module attributes {stable_mosaic.version = 14 : i64} {
  func.func @_combine_body(%arg0: i32, %arg1: i32, %arg2: memref<5120x768xf32, #tpu.memory_space<hbm>>, %arg3: memref<2048xi32, #tpu.memory_space<hbm>>, %arg4: memref<2048xi32, #tpu.memory_space<hbm>>, %arg5: memref<2048x768xf32, #tpu.memory_space<hbm>>, %arg6: memref<64xi32, #tpu.memory_space<vmem>>, %arg7: memref<64xi32, #tpu.memory_space<vmem>>, %arg8: memref<64x768xf32, #tpu.memory_space<vmem>>, %arg9: memref<64x768xf32, #tpu.memory_space<vmem>>, %arg10: memref<!tpu.dma_semaphore, #tpu.memory_space<semaphore_mem>>, %arg11: memref<!tpu.dma_semaphore, #tpu.memory_space<semaphore_mem>>) attributes {dimension_semantics = [#tpu.dimension_semantics<core_parallel>, #tpu.dimension_semantics<subcore_parallel>], iteration_bounds = array<i64: 2, 16>, scalar_prefetch = 0 : i64, scratch_operands = 6 : i64, tpu.core_type = #tpu.core_type<sc_vector_subcore>, window_params = [{transform_indices = #map}, {transform_indices = #map1}, {transform_indices = #map1}, {transform_indices = #map}]} {
    %mul3A = arith.constant 2 : i32
    %mul3A_0 = arith.muli %arg1, %mul3A : i32
    %add3A = arith.addi %mul3A_0, %arg0 : i32
    %mul3A_1 = arith.constant 64 : i32
    %mul3A_2 = arith.muli %add3A, %mul3A_1 : i32
    "tpu.region"() ({
      %run_scoped3A = tpu.sem_alloc : memref<!tpu.dma_semaphore, #tpu.memory_space<semaphore_mem>>
      %dma_start3A_18 = tpu.memref_slice %arg3[%mul3A_2] : memref<2048xi32, #tpu.memory_space<hbm>> -> memref<64xi32, #tpu.memory_space<hbm>>
      %dma_start3A_19 = tpu.memref_slice %arg3[%mul3A_2] : memref<2048xi32, #tpu.memory_space<hbm>> -> memref<64xi32, #tpu.memory_space<hbm>>
      tpu.enqueue_dma source(%dma_start3A_19 : memref<64xi32, #tpu.memory_space<hbm>>) target(%arg6 : memref<64xi32, #tpu.memory_space<vmem>>) target_semaphore(%run_scoped3A : memref<!tpu.dma_semaphore, #tpu.memory_space<semaphore_mem>>)
      %dma_wait3A_20 = tpu.memref_slice %arg3[%mul3A_2] : memref<2048xi32, #tpu.memory_space<hbm>> -> memref<64xi32, #tpu.memory_space<hbm>>
      %dma_wait3A_21 = tpu.memref_slice %arg3[%mul3A_2] : memref<2048xi32, #tpu.memory_space<hbm>> -> memref<64xi32, #tpu.memory_space<hbm>>
      tpu.wait_dma2 semaphore(%run_scoped3A : memref<!tpu.dma_semaphore, #tpu.memory_space<semaphore_mem>>) src(%dma_wait3A_21 : memref<64xi32, #tpu.memory_space<hbm>>) dst(%arg6 : memref<64xi32, #tpu.memory_space<vmem>>)
      tpu.yield
    }) : () -> ()
    "tpu.region"() ({
      %run_scoped3A = tpu.sem_alloc : memref<!tpu.dma_semaphore, #tpu.memory_space<semaphore_mem>>
      %dma_start3A_18 = tpu.memref_slice %arg4[%mul3A_2] : memref<2048xi32, #tpu.memory_space<hbm>> -> memref<64xi32, #tpu.memory_space<hbm>>
      %dma_start3A_19 = tpu.memref_slice %arg4[%mul3A_2] : memref<2048xi32, #tpu.memory_space<hbm>> -> memref<64xi32, #tpu.memory_space<hbm>>
      tpu.enqueue_dma source(%dma_start3A_19 : memref<64xi32, #tpu.memory_space<hbm>>) target(%arg7 : memref<64xi32, #tpu.memory_space<vmem>>) target_semaphore(%run_scoped3A : memref<!tpu.dma_semaphore, #tpu.memory_space<semaphore_mem>>)
      %dma_wait3A_20 = tpu.memref_slice %arg4[%mul3A_2] : memref<2048xi32, #tpu.memory_space<hbm>> -> memref<64xi32, #tpu.memory_space<hbm>>
      %dma_wait3A_21 = tpu.memref_slice %arg4[%mul3A_2] : memref<2048xi32, #tpu.memory_space<hbm>> -> memref<64xi32, #tpu.memory_space<hbm>>
      tpu.wait_dma2 semaphore(%run_scoped3A : memref<!tpu.dma_semaphore, #tpu.memory_space<semaphore_mem>>) src(%dma_wait3A_21 : memref<64xi32, #tpu.memory_space<hbm>>) dst(%arg7 : memref<64xi32, #tpu.memory_space<vmem>>)
      tpu.yield
    }) : () -> ()
    %dma_start3A = arith.constant 0 : i32
    %dma_start3A_3 = arith.constant 0 : i32
    %dma_start3A_4 = tpu.memref_slice %arg2[%dma_start3A, %dma_start3A_3] : memref<5120x768xf32, #tpu.memory_space<hbm>> -> memref<5120x768xf32, #tpu.memory_space<hbm>>
    tpu.enqueue_indirect_dma source(%dma_start3A_4 : memref<5120x768xf32, #tpu.memory_space<hbm>>) target(%arg8 : memref<64x768xf32, #tpu.memory_space<vmem>>) offsets(%arg6 : memref<64xi32, #tpu.memory_space<vmem>>) semaphore(%arg10 : memref<!tpu.dma_semaphore, #tpu.memory_space<semaphore_mem>>)
    %dma_start3A_5 = arith.constant 0 : i32
    %dma_start3A_6 = arith.constant 0 : i32
    %dma_start3A_7 = tpu.memref_slice %arg2[%dma_start3A_5, %dma_start3A_6] : memref<5120x768xf32, #tpu.memory_space<hbm>> -> memref<5120x768xf32, #tpu.memory_space<hbm>>
    tpu.enqueue_indirect_dma source(%dma_start3A_7 : memref<5120x768xf32, #tpu.memory_space<hbm>>) target(%arg9 : memref<64x768xf32, #tpu.memory_space<vmem>>) offsets(%arg7 : memref<64xi32, #tpu.memory_space<vmem>>) semaphore(%arg11 : memref<!tpu.dma_semaphore, #tpu.memory_space<semaphore_mem>>)
    %dma_wait3A = arith.constant 0 : i32
    %dma_wait3A_8 = arith.constant 0 : i32
    %dma_wait3A_9 = tpu.memref_slice %arg2[%dma_wait3A, %dma_wait3A_8] : memref<5120x768xf32, #tpu.memory_space<hbm>> -> memref<5120x768xf32, #tpu.memory_space<hbm>>
    tpu.wait_indirect_dma semaphore(%arg10 : memref<!tpu.dma_semaphore, #tpu.memory_space<semaphore_mem>>) src(%dma_wait3A_9 : memref<5120x768xf32, #tpu.memory_space<hbm>>) dst(%arg8 : memref<64x768xf32, #tpu.memory_space<vmem>>)
    %dma_wait3A_10 = arith.constant 0 : i32
    %dma_wait3A_11 = arith.constant 0 : i32
    %dma_wait3A_12 = tpu.memref_slice %arg2[%dma_wait3A_10, %dma_wait3A_11] : memref<5120x768xf32, #tpu.memory_space<hbm>> -> memref<5120x768xf32, #tpu.memory_space<hbm>>
    tpu.wait_indirect_dma semaphore(%arg11 : memref<!tpu.dma_semaphore, #tpu.memory_space<semaphore_mem>>) src(%dma_wait3A_12 : memref<5120x768xf32, #tpu.memory_space<hbm>>) dst(%arg9 : memref<64x768xf32, #tpu.memory_space<vmem>>)
    %scan3A = arith.constant 0 : i32
    %scan3A_13 = arith.constant 0 : i32
    %scan3A_14 = arith.constant 64 : i32
    %scan3A_15 = arith.addi %scan3A_13, %scan3A_14 : i32
    %scan3A_16 = arith.constant 1 : i32
    scf.for %scan3A_18 = %scan3A_13 to %scan3A_15 step %scan3A_16  : i32 {
      %get3A = arith.index_cast %scan3A_18 : i32 to index
      %get3A_19 = arith.constant 0 : index
      %get3A_20 = tpu.vector_load %arg8[%get3A, %get3A_19] {strides = array<i32>} : memref<64x768xf32, #tpu.memory_space<vmem>>, vector<16xf32>,
      %get3A_21 = arith.index_cast %scan3A_18 : i32 to index
      %get3A_22 = arith.constant 0 : index
      %get3A_23 = tpu.vector_load %arg9[%get3A_21, %get3A_22] {strides = array<i32>} : memref<64x768xf32, #tpu.memory_space<vmem>>, vector<16xf32>,
      %add3A_24 = arith.addf %get3A_20, %get3A_23 : vector<16xf32>
      %swap3A = arith.index_cast %scan3A_18 : i32 to index
      %swap3A_25 = arith.constant 0 : index
      %swap3A_26 = tpu.vector_load %arg8[%swap3A, %swap3A_25] {strides = array<i32>} : memref<64x768xf32, #tpu.memory_space<vmem>>, vector<16xf32>,
      tpu.vector_store %arg8[%swap3A, %swap3A_25], %add3A_24 {strides = array<i32>} : memref<64x768xf32, #tpu.memory_space<vmem>>, vector<16xf32>,
      %get3A_27 = arith.index_cast %scan3A_18 : i32 to index
      %get3A_28 = arith.constant 16 : index
      %get3A_29 = tpu.vector_load %arg8[%get3A_27, %get3A_28] {strides = array<i32>} : memref<64x768xf32, #tpu.memory_space<vmem>>, vector<16xf32>,
      %get3A_30 = arith.index_cast %scan3A_18 : i32 to index
      %get3A_31 = arith.constant 16 : index
      %get3A_32 = tpu.vector_load %arg9[%get3A_30, %get3A_31] {strides = array<i32>} : memref<64x768xf32, #tpu.memory_space<vmem>>, vector<16xf32>,
      %add3A_33 = arith.addf %get3A_29, %get3A_32 : vector<16xf32>
      %swap3A_34 = arith.index_cast %scan3A_18 : i32 to index
      %swap3A_35 = arith.constant 16 : index
      %swap3A_36 = tpu.vector_load %arg8[%swap3A_34, %swap3A_35] {strides = array<i32>} : memref<64x768xf32, #tpu.memory_space<vmem>>, vector<16xf32>,
      tpu.vector_store %arg8[%swap3A_34, %swap3A_35], %add3A_33 {strides = array<i32>} : memref<64x768xf32, #tpu.memory_space<vmem>>, vector<16xf32>,
      %get3A_37 = arith.index_cast %scan3A_18 : i32 to index
      %get3A_38 = arith.constant 32 : index
      %get3A_39 = tpu.vector_load %arg8[%get3A_37, %get3A_38] {strides = array<i32>} : memref<64x768xf32, #tpu.memory_space<vmem>>, vector<16xf32>,
      %get3A_40 = arith.index_cast %scan3A_18 : i32 to index
      %get3A_41 = arith.constant 32 : index
      %get3A_42 = tpu.vector_load %arg9[%get3A_40, %get3A_41] {strides = array<i32>} : memref<64x768xf32, #tpu.memory_space<vmem>>, vector<16xf32>,
      %add3A_43 = arith.addf %get3A_39, %get3A_42 : vector<16xf32>
      %swap3A_44 = arith.index_cast %scan3A_18 : i32 to index
      %swap3A_45 = arith.constant 32 : index
      %swap3A_46 = tpu.vector_load %arg8[%swap3A_44, %swap3A_45] {strides = array<i32>} : memref<64x768xf32, #tpu.memory_space<vmem>>, vector<16xf32>,
      tpu.vector_store %arg8[%swap3A_44, %swap3A_45], %add3A_43 {strides = array<i32>} : memref<64x768xf32, #tpu.memory_space<vmem>>, vector<16xf32>,
      %get3A_47 = arith.index_cast %scan3A_18 : i32 to index
      %get3A_48 = arith.constant 48 : index
      %get3A_49 = tpu.vector_load %arg8[%get3A_47, %get3A_48] {strides = array<i32>} : memref<64x768xf32, #tpu.memory_space<vmem>>, vector<16xf32>,
      %get3A_50 = arith.index_cast %scan3A_18 : i32 to index
      %get3A_51 = arith.constant 48 : index
      %get3A_52 = tpu.vector_load %arg9[%get3A_50, %get3A_51] {strides = array<i32>} : memref<64x768xf32, #tpu.memory_space<vmem>>, vector<16xf32>,
      %add3A_53 = arith.addf %get3A_49, %get3A_52 : vector<16xf32>
      %swap3A_54 = arith.index_cast %scan3A_18 : i32 to index
      %swap3A_55 = arith.constant 48 : index
      %swap3A_56 = tpu.vector_load %arg8[%swap3A_54, %swap3A_55] {strides = array<i32>} : memref<64x768xf32, #tpu.memory_space<vmem>>, vector<16xf32>,
      tpu.vector_store %arg8[%swap3A_54, %swap3A_55], %add3A_53 {strides = array<i32>} : memref<64x768xf32, #tpu.memory_space<vmem>>, vector<16xf32>,
      %get3A_57 = arith.index_cast %scan3A_18 : i32 to index
      %get3A_58 = arith.constant 64 : index
      %get3A_59 = tpu.vector_load %arg8[%get3A_57, %get3A_58] {strides = array<i32>} : memref<64x768xf32, #tpu.memory_space<vmem>>, vector<16xf32>,
      %get3A_60 = arith.index_cast %scan3A_18 : i32 to index
      %get3A_61 = arith.constant 64 : index
      %get3A_62 = tpu.vector_load %arg9[%get3A_60, %get3A_61] {strides = array<i32>} : memref<64x768xf32, #tpu.memory_space<vmem>>, vector<16xf32>,
      %add3A_63 = arith.addf %get3A_59, %get3A_62 : vector<16xf32>
      %swap3A_64 = arith.index_cast %scan3A_18 : i32 to index
      %swap3A_65 = arith.constant 64 : index
      %swap3A_66 = tpu.vector_load %arg8[%swap3A_64, %swap3A_65] {strides = array<i32>} : memref<64x768xf32, #tpu.memory_space<vmem>>, vector<16xf32>,
      tpu.vector_store %arg8[%swap3A_64, %swap3A_65], %add3A_63 {strides = array<i32>} : memref<64x768xf32, #tpu.memory_space<vmem>>, vector<16xf32>,
      %get3A_67 = arith.index_cast %scan3A_18 : i32 to index
      %get3A_68 = arith.constant 80 : index
      %get3A_69 = tpu.vector_load %arg8[%get3A_67, %get3A_68] {strides = array<i32>} : memref<64x768xf32, #tpu.memory_space<vmem>>, vector<16xf32>,
      %get3A_70 = arith.index_cast %scan3A_18 : i32 to index
      %get3A_71 = arith.constant 80 : index
      %get3A_72 = tpu.vector_load %arg9[%get3A_70, %get3A_71] {strides = array<i32>} : memref<64x768xf32, #tpu.memory_space<vmem>>, vector<16xf32>,
      %add3A_73 = arith.addf %get3A_69, %get3A_72 : vector<16xf32>
      %swap3A_74 = arith.index_cast %scan3A_18 : i32 to index
      %swap3A_75 = arith.constant 80 : index
      %swap3A_76 = tpu.vector_load %arg8[%swap3A_74, %swap3A_75] {strides = array<i32>} : memref<64x768xf32, #tpu.memory_space<vmem>>, vector<16xf32>,
      tpu.vector_store %arg8[%swap3A_74, %swap3A_75], %add3A_73 {strides = array<i32>} : memref<64x768xf32, #tpu.memory_space<vmem>>, vector<16xf32>,
      %get3A_77 = arith.index_cast %scan3A_18 : i32 to index
      %get3A_78 = arith.constant 96 : index
      %get3A_79 = tpu.vector_load %arg8[%get3A_77, %get3A_78] {strides = array<i32>} : memref<64x768xf32, #tpu.memory_space<vmem>>, vector<16xf32>,
      %get3A_80 = arith.index_cast %scan3A_18 : i32 to index
      %get3A_81 = arith.constant 96 : index
      %get3A_82 = tpu.vector_load %arg9[%get3A_80, %get3A_81] {strides = array<i32>} : memref<64x768xf32, #tpu.memory_space<vmem>>, vector<16xf32>,
      %add3A_83 = arith.addf %get3A_79, %get3A_82 : vector<16xf32>
      %swap3A_84 = arith.index_cast %scan3A_18 : i32 to index
      %swap3A_85 = arith.constant 96 : index
      %swap3A_86 = tpu.vector_load %arg8[%swap3A_84, %swap3A_85] {strides = array<i32>} : memref<64x768xf32, #tpu.memory_space<vmem>>, vector<16xf32>,
      tpu.vector_store %arg8[%swap3A_84, %swap3A_85], %add3A_83 {strides = array<i32>} : memref<64x768xf32, #tpu.memory_space<vmem>>, vector<16xf32>,
      %get3A_87 = arith.index_cast %scan3A_18 : i32 to index
      %get3A_88 = arith.constant 112 : index
      %get3A_89 = tpu.vector_load %arg8[%get3A_87, %get3A_88] {strides = array<i32>} : memref<64x768xf32, #tpu.memory_space<vmem>>, vector<16xf32>,
      %get3A_90 = arith.index_cast %scan3A_18 : i32 to index
      %get3A_91 = arith.constant 112 : index
      %get3A_92 = tpu.vector_load %arg9[%get3A_90, %get3A_91] {strides = array<i32>} : memref<64x768xf32, #tpu.memory_space<vmem>>, vector<16xf32>,
      %add3A_93 = arith.addf %get3A_89, %get3A_92 : vector<16xf32>
      %swap3A_94 = arith.index_cast %scan3A_18 : i32 to index
      %swap3A_95 = arith.constant 112 : index
      %swap3A_96 = tpu.vector_load %arg8[%swap3A_94, %swap3A_95] {strides = array<i32>} : memref<64x768xf32, #tpu.memory_space<vmem>>, vector<16xf32>,
      tpu.vector_store %arg8[%swap3A_94, %swap3A_95], %add3A_93 {strides = array<i32>} : memref<64x768xf32, #tpu.memory_space<vmem>>, vector<16xf32>,
      %get3A_97 = arith.index_cast %scan3A_18 : i32 to index
      %get3A_98 = arith.constant 128 : index
      %get3A_99 = tpu.vector_load %arg8[%get3A_97, %get3A_98] {strides = array<i32>} : memref<64x768xf32, #tpu.memory_space<vmem>>, vector<16xf32>,
      %get3A_100 = arith.index_cast %scan3A_18 : i32 to index
      %get3A_101 = arith.constant 128 : index
      %get3A_102 = tpu.vector_load %arg9[%get3A_100, %get3A_101] {strides = array<i32>} : memref<64x768xf32, #tpu.memory_space<vmem>>, vector<16xf32>,
      %add3A_103 = arith.addf %get3A_99, %get3A_102 : vector<16xf32>
      %swap3A_104 = arith.index_cast %scan3A_18 : i32 to index
      %swap3A_105 = arith.constant 128 : index
      %swap3A_106 = tpu.vector_load %arg8[%swap3A_104, %swap3A_105] {strides = array<i32>} : memref<64x768xf32, #tpu.memory_space<vmem>>, vector<16xf32>,
      tpu.vector_store %arg8[%swap3A_104, %swap3A_105], %add3A_103 {strides = array<i32>} : memref<64x768xf32, #tpu.memory_space<vmem>>, vector<16xf32>,
      %get3A_107 = arith.index_cast %scan3A_18 : i32 to index
      %get3A_108 = arith.constant 144 : index
      %get3A_109 = tpu.vector_load %arg8[%get3A_107, %get3A_108] {strides = array<i32>} : memref<64x768xf32, #tpu.memory_space<vmem>>, vector<16xf32>,
      %get3A_110 = arith.index_cast %scan3A_18 : i32 to index
      %get3A_111 = arith.constant 144 : index
      %get3A_112 = tpu.vector_load %arg9[%get3A_110, %get3A_111] {strides = array<i32>} : memref<64x768xf32, #tpu.memory_space<vmem>>, vector<16xf32>,
      %add3A_113 = arith.addf %get3A_109, %get3A_112 : vector<16xf32>
      %swap3A_114 = arith.index_cast %scan3A_18 : i32 to index
      %swap3A_115 = arith.constant 144 : index
      %swap3A_116 = tpu.vector_load %arg8[%swap3A_114, %swap3A_115] {strides = array<i32>} : memref<64x768xf32, #tpu.memory_space<vmem>>, vector<16xf32>,
      tpu.vector_store %arg8[%swap3A_114, %swap3A_115], %add3A_113 {strides = array<i32>} : memref<64x768xf32, #tpu.memory_space<vmem>>, vector<16xf32>,
      %get3A_117 = arith.index_cast %scan3A_18 : i32 to index
      %get3A_118 = arith.constant 160 : index
      %get3A_119 = tpu.vector_load %arg8[%get3A_117, %get3A_118] {strides = array<i32>} : memref<64x768xf32, #tpu.memory_space<vmem>>, vector<16xf32>,
      %get3A_120 = arith.index_cast %scan3A_18 : i32 to index
      %get3A_121 = arith.constant 160 : index
      %get3A_122 = tpu.vector_load %arg9[%get3A_120, %get3A_121] {strides = array<i32>} : memref<64x768xf32, #tpu.memory_space<vmem>>, vector<16xf32>,
      %add3A_123 = arith.addf %get3A_119, %get3A_122 : vector<16xf32>
      %swap3A_124 = arith.index_cast %scan3A_18 : i32 to index
      %swap3A_125 = arith.constant 160 : index
      %swap3A_126 = tpu.vector_load %arg8[%swap3A_124, %swap3A_125] {strides = array<i32>} : memref<64x768xf32, #tpu.memory_space<vmem>>, vector<16xf32>,
      tpu.vector_store %arg8[%swap3A_124, %swap3A_125], %add3A_123 {strides = array<i32>} : memref<64x768xf32, #tpu.memory_space<vmem>>, vector<16xf32>,
      %get3A_127 = arith.index_cast %scan3A_18 : i32 to index
      %get3A_128 = arith.constant 176 : index
      %get3A_129 = tpu.vector_load %arg8[%get3A_127, %get3A_128] {strides = array<i32>} : memref<64x768xf32, #tpu.memory_space<vmem>>, vector<16xf32>,
      %get3A_130 = arith.index_cast %scan3A_18 : i32 to index
      %get3A_131 = arith.constant 176 : index
      %get3A_132 = tpu.vector_load %arg9[%get3A_130, %get3A_131] {strides = array<i32>} : memref<64x768xf32, #tpu.memory_space<vmem>>, vector<16xf32>,
      %add3A_133 = arith.addf %get3A_129, %get3A_132 : vector<16xf32>
      %swap3A_134 = arith.index_cast %scan3A_18 : i32 to index
      %swap3A_135 = arith.constant 176 : index
      %swap3A_136 = tpu.vector_load %arg8[%swap3A_134, %swap3A_135] {strides = array<i32>} : memref<64x768xf32, #tpu.memory_space<vmem>>, vector<16xf32>,
      tpu.vector_store %arg8[%swap3A_134, %swap3A_135], %add3A_133 {strides = array<i32>} : memref<64x768xf32, #tpu.memory_space<vmem>>, vector<16xf32>,
      %get3A_137 = arith.index_cast %scan3A_18 : i32 to index
      %get3A_138 = arith.constant 192 : index
      %get3A_139 = tpu.vector_load %arg8[%get3A_137, %get3A_138] {strides = array<i32>} : memref<64x768xf32, #tpu.memory_space<vmem>>, vector<16xf32>,
      %get3A_140 = arith.index_cast %scan3A_18 : i32 to index
      %get3A_141 = arith.constant 192 : index
      %get3A_142 = tpu.vector_load %arg9[%get3A_140, %get3A_141] {strides = array<i32>} : memref<64x768xf32, #tpu.memory_space<vmem>>, vector<16xf32>,
      %add3A_143 = arith.addf %get3A_139, %get3A_142 : vector<16xf32>
      %swap3A_144 = arith.index_cast %scan3A_18 : i32 to index
      %swap3A_145 = arith.constant 192 : index
      %swap3A_146 = tpu.vector_load %arg8[%swap3A_144, %swap3A_145] {strides = array<i32>} : memref<64x768xf32, #tpu.memory_space<vmem>>, vector<16xf32>,
      tpu.vector_store %arg8[%swap3A_144, %swap3A_145], %add3A_143 {strides = array<i32>} : memref<64x768xf32, #tpu.memory_space<vmem>>, vector<16xf32>,
      %get3A_147 = arith.index_cast %scan3A_18 : i32 to index
      %get3A_148 = arith.constant 208 : index
      %get3A_149 = tpu.vector_load %arg8[%get3A_147, %get3A_148] {strides = array<i32>} : memref<64x768xf32, #tpu.memory_space<vmem>>, vector<16xf32>,
      %get3A_150 = arith.index_cast %scan3A_18 : i32 to index
      %get3A_151 = arith.constant 208 : index
      %get3A_152 = tpu.vector_load %arg9[%get3A_150, %get3A_151] {strides = array<i32>} : memref<64x768xf32, #tpu.memory_space<vmem>>, vector<16xf32>,
      %add3A_153 = arith.addf %get3A_149, %get3A_152 : vector<16xf32>
      %swap3A_154 = arith.index_cast %scan3A_18 : i32 to index
      %swap3A_155 = arith.constant 208 : index
      %swap3A_156 = tpu.vector_load %arg8[%swap3A_154, %swap3A_155] {strides = array<i32>} : memref<64x768xf32, #tpu.memory_space<vmem>>, vector<16xf32>,
      tpu.vector_store %arg8[%swap3A_154, %swap3A_155], %add3A_153 {strides = array<i32>} : memref<64x768xf32, #tpu.memory_space<vmem>>, vector<16xf32>,
      %get3A_157 = arith.index_cast %scan3A_18 : i32 to index
      %get3A_158 = arith.constant 224 : index
      %get3A_159 = tpu.vector_load %arg8[%get3A_157, %get3A_158] {strides = array<i32>} : memref<64x768xf32, #tpu.memory_space<vmem>>, vector<16xf32>,
      %get3A_160 = arith.index_cast %scan3A_18 : i32 to index
      %get3A_161 = arith.constant 224 : index
      %get3A_162 = tpu.vector_load %arg9[%get3A_160, %get3A_161] {strides = array<i32>} : memref<64x768xf32, #tpu.memory_space<vmem>>, vector<16xf32>,
      %add3A_163 = arith.addf %get3A_159, %get3A_162 : vector<16xf32>
      %swap3A_164 = arith.index_cast %scan3A_18 : i32 to index
      %swap3A_165 = arith.constant 224 : index
      %swap3A_166 = tpu.vector_load %arg8[%swap3A_164, %swap3A_165] {strides = array<i32>} : memref<64x768xf32, #tpu.memory_space<vmem>>, vector<16xf32>,
      tpu.vector_store %arg8[%swap3A_164, %swap3A_165], %add3A_163 {strides = array<i32>} : memref<64x768xf32, #tpu.memory_space<vmem>>, vector<16xf32>,
      %get3A_167 = arith.index_cast %scan3A_18 : i32 to index
      %get3A_168 = arith.constant 240 : index
      %get3A_169 = tpu.vector_load %arg8[%get3A_167, %get3A_168] {strides = array<i32>} : memref<64x768xf32, #tpu.memory_space<vmem>>, vector<16xf32>,
      %get3A_170 = arith.index_cast %scan3A_18 : i32 to index
      %get3A_171 = arith.constant 240 : index
      %get3A_172 = tpu.vector_load %arg9[%get3A_170, %get3A_171] {strides = array<i32>} : memref<64x768xf32, #tpu.memory_space<vmem>>, vector<16xf32>,
      %add3A_173 = arith.addf %get3A_169, %get3A_172 : vector<16xf32>
      %swap3A_174 = arith.index_cast %scan3A_18 : i32 to index
      %swap3A_175 = arith.constant 240 : index
      %swap3A_176 = tpu.vector_load %arg8[%swap3A_174, %swap3A_175] {strides = array<i32>} : memref<64x768xf32, #tpu.memory_space<vmem>>, vector<16xf32>,
      tpu.vector_store %arg8[%swap3A_174, %swap3A_175], %add3A_173 {strides = array<i32>} : memref<64x768xf32, #tpu.memory_space<vmem>>, vector<16xf32>,
      %get3A_177 = arith.index_cast %scan3A_18 : i32 to index
      %get3A_178 = arith.constant 256 : index
      %get3A_179 = tpu.vector_load %arg8[%get3A_177, %get3A_178] {strides = array<i32>} : memref<64x768xf32, #tpu.memory_space<vmem>>, vector<16xf32>,
      %get3A_180 = arith.index_cast %scan3A_18 : i32 to index
      %get3A_181 = arith.constant 256 : index
      %get3A_182 = tpu.vector_load %arg9[%get3A_180, %get3A_181] {strides = array<i32>} : memref<64x768xf32, #tpu.memory_space<vmem>>, vector<16xf32>,
      %add3A_183 = arith.addf %get3A_179, %get3A_182 : vector<16xf32>
      %swap3A_184 = arith.index_cast %scan3A_18 : i32 to index
      %swap3A_185 = arith.constant 256 : index
      %swap3A_186 = tpu.vector_load %arg8[%swap3A_184, %swap3A_185] {strides = array<i32>} : memref<64x768xf32, #tpu.memory_space<vmem>>, vector<16xf32>,
      tpu.vector_store %arg8[%swap3A_184, %swap3A_185], %add3A_183 {strides = array<i32>} : memref<64x768xf32, #tpu.memory_space<vmem>>, vector<16xf32>,
      %get3A_187 = arith.index_cast %scan3A_18 : i32 to index
      %get3A_188 = arith.constant 272 : index
      %get3A_189 = tpu.vector_load %arg8[%get3A_187, %get3A_188] {strides = array<i32>} : memref<64x768xf32, #tpu.memory_space<vmem>>, vector<16xf32>,
      %get3A_190 = arith.index_cast %scan3A_18 : i32 to index
      %get3A_191 = arith.constant 272 : index
      %get3A_192 = tpu.vector_load %arg9[%get3A_190, %get3A_191] {strides = array<i32>} : memref<64x768xf32, #tpu.memory_space<vmem>>, vector<16xf32>,
      %add3A_193 = arith.addf %get3A_189, %get3A_192 : vector<16xf32>
      %swap3A_194 = arith.index_cast %scan3A_18 : i32 to index
      %swap3A_195 = arith.constant 272 : index
      %swap3A_196 = tpu.vector_load %arg8[%swap3A_194, %swap3A_195] {strides = array<i32>} : memref<64x768xf32, #tpu.memory_space<vmem>>, vector<16xf32>,
      tpu.vector_store %arg8[%swap3A_194, %swap3A_195], %add3A_193 {strides = array<i32>} : memref<64x768xf32, #tpu.memory_space<vmem>>, vector<16xf32>,
      %get3A_197 = arith.index_cast %scan3A_18 : i32 to index
      %get3A_198 = arith.constant 288 : index
      %get3A_199 = tpu.vector_load %arg8[%get3A_197, %get3A_198] {strides = array<i32>} : memref<64x768xf32, #tpu.memory_space<vmem>>, vector<16xf32>,
      %get3A_200 = arith.index_cast %scan3A_18 : i32 to index
      %get3A_201 = arith.constant 288 : index
      %get3A_202 = tpu.vector_load %arg9[%get3A_200, %get3A_201] {strides = array<i32>} : memref<64x768xf32, #tpu.memory_space<vmem>>, vector<16xf32>,
      %add3A_203 = arith.addf %get3A_199, %get3A_202 : vector<16xf32>
      %swap3A_204 = arith.index_cast %scan3A_18 : i32 to index
      %swap3A_205 = arith.constant 288 : index
      %swap3A_206 = tpu.vector_load %arg8[%swap3A_204, %swap3A_205] {strides = array<i32>} : memref<64x768xf32, #tpu.memory_space<vmem>>, vector<16xf32>,
      tpu.vector_store %arg8[%swap3A_204, %swap3A_205], %add3A_203 {strides = array<i32>} : memref<64x768xf32, #tpu.memory_space<vmem>>, vector<16xf32>,
      %get3A_207 = arith.index_cast %scan3A_18 : i32 to index
      %get3A_208 = arith.constant 304 : index
      %get3A_209 = tpu.vector_load %arg8[%get3A_207, %get3A_208] {strides = array<i32>} : memref<64x768xf32, #tpu.memory_space<vmem>>, vector<16xf32>,
      %get3A_210 = arith.index_cast %scan3A_18 : i32 to index
      %get3A_211 = arith.constant 304 : index
      %get3A_212 = tpu.vector_load %arg9[%get3A_210, %get3A_211] {strides = array<i32>} : memref<64x768xf32, #tpu.memory_space<vmem>>, vector<16xf32>,
      %add3A_213 = arith.addf %get3A_209, %get3A_212 : vector<16xf32>
      %swap3A_214 = arith.index_cast %scan3A_18 : i32 to index
      %swap3A_215 = arith.constant 304 : index
      %swap3A_216 = tpu.vector_load %arg8[%swap3A_214, %swap3A_215] {strides = array<i32>} : memref<64x768xf32, #tpu.memory_space<vmem>>, vector<16xf32>,
      tpu.vector_store %arg8[%swap3A_214, %swap3A_215], %add3A_213 {strides = array<i32>} : memref<64x768xf32, #tpu.memory_space<vmem>>, vector<16xf32>,
      %get3A_217 = arith.index_cast %scan3A_18 : i32 to index
      %get3A_218 = arith.constant 320 : index
      %get3A_219 = tpu.vector_load %arg8[%get3A_217, %get3A_218] {strides = array<i32>} : memref<64x768xf32, #tpu.memory_space<vmem>>, vector<16xf32>,
      %get3A_220 = arith.index_cast %scan3A_18 : i32 to index
      %get3A_221 = arith.constant 320 : index
      %get3A_222 = tpu.vector_load %arg9[%get3A_220, %get3A_221] {strides = array<i32>} : memref<64x768xf32, #tpu.memory_space<vmem>>, vector<16xf32>,
      %add3A_223 = arith.addf %get3A_219, %get3A_222 : vector<16xf32>
      %swap3A_224 = arith.index_cast %scan3A_18 : i32 to index
      %swap3A_225 = arith.constant 320 : index
      %swap3A_226 = tpu.vector_load %arg8[%swap3A_224, %swap3A_225] {strides = array<i32>} : memref<64x768xf32, #tpu.memory_space<vmem>>, vector<16xf32>,
      tpu.vector_store %arg8[%swap3A_224, %swap3A_225], %add3A_223 {strides = array<i32>} : memref<64x768xf32, #tpu.memory_space<vmem>>, vector<16xf32>,
      %get3A_227 = arith.index_cast %scan3A_18 : i32 to index
      %get3A_228 = arith.constant 336 : index
      %get3A_229 = tpu.vector_load %arg8[%get3A_227, %get3A_228] {strides = array<i32>} : memref<64x768xf32, #tpu.memory_space<vmem>>, vector<16xf32>,
      %get3A_230 = arith.index_cast %scan3A_18 : i32 to index
      %get3A_231 = arith.constant 336 : index
      %get3A_232 = tpu.vector_load %arg9[%get3A_230, %get3A_231] {strides = array<i32>} : memref<64x768xf32, #tpu.memory_space<vmem>>, vector<16xf32>,
      %add3A_233 = arith.addf %get3A_229, %get3A_232 : vector<16xf32>
      %swap3A_234 = arith.index_cast %scan3A_18 : i32 to index
      %swap3A_235 = arith.constant 336 : index
      %swap3A_236 = tpu.vector_load %arg8[%swap3A_234, %swap3A_235] {strides = array<i32>} : memref<64x768xf32, #tpu.memory_space<vmem>>, vector<16xf32>,
      tpu.vector_store %arg8[%swap3A_234, %swap3A_235], %add3A_233 {strides = array<i32>} : memref<64x768xf32, #tpu.memory_space<vmem>>, vector<16xf32>,
      %get3A_237 = arith.index_cast %scan3A_18 : i32 to index
      %get3A_238 = arith.constant 352 : index
      %get3A_239 = tpu.vector_load %arg8[%get3A_237, %get3A_238] {strides = array<i32>} : memref<64x768xf32, #tpu.memory_space<vmem>>, vector<16xf32>,
      %get3A_240 = arith.index_cast %scan3A_18 : i32 to index
      %get3A_241 = arith.constant 352 : index
      %get3A_242 = tpu.vector_load %arg9[%get3A_240, %get3A_241] {strides = array<i32>} : memref<64x768xf32, #tpu.memory_space<vmem>>, vector<16xf32>,
      %add3A_243 = arith.addf %get3A_239, %get3A_242 : vector<16xf32>
      %swap3A_244 = arith.index_cast %scan3A_18 : i32 to index
      %swap3A_245 = arith.constant 352 : index
      %swap3A_246 = tpu.vector_load %arg8[%swap3A_244, %swap3A_245] {strides = array<i32>} : memref<64x768xf32, #tpu.memory_space<vmem>>, vector<16xf32>,
      tpu.vector_store %arg8[%swap3A_244, %swap3A_245], %add3A_243 {strides = array<i32>} : memref<64x768xf32, #tpu.memory_space<vmem>>, vector<16xf32>,
      %get3A_247 = arith.index_cast %scan3A_18 : i32 to index
      %get3A_248 = arith.constant 368 : index
      %get3A_249 = tpu.vector_load %arg8[%get3A_247, %get3A_248] {strides = array<i32>} : memref<64x768xf32, #tpu.memory_space<vmem>>, vector<16xf32>,
      %get3A_250 = arith.index_cast %scan3A_18 : i32 to index
      %get3A_251 = arith.constant 368 : index
      %get3A_252 = tpu.vector_load %arg9[%get3A_250, %get3A_251] {strides = array<i32>} : memref<64x768xf32, #tpu.memory_space<vmem>>, vector<16xf32>,
      %add3A_253 = arith.addf %get3A_249, %get3A_252 : vector<16xf32>
      %swap3A_254 = arith.index_cast %scan3A_18 : i32 to index
      %swap3A_255 = arith.constant 368 : index
      %swap3A_256 = tpu.vector_load %arg8[%swap3A_254, %swap3A_255] {strides = array<i32>} : memref<64x768xf32, #tpu.memory_space<vmem>>, vector<16xf32>,
      tpu.vector_store %arg8[%swap3A_254, %swap3A_255], %add3A_253 {strides = array<i32>} : memref<64x768xf32, #tpu.memory_space<vmem>>, vector<16xf32>,
      %get3A_257 = arith.index_cast %scan3A_18 : i32 to index
      %get3A_258 = arith.constant 384 : index
      %get3A_259 = tpu.vector_load %arg8[%get3A_257, %get3A_258] {strides = array<i32>} : memref<64x768xf32, #tpu.memory_space<vmem>>, vector<16xf32>,
      %get3A_260 = arith.index_cast %scan3A_18 : i32 to index
      %get3A_261 = arith.constant 384 : index
      %get3A_262 = tpu.vector_load %arg9[%get3A_260, %get3A_261] {strides = array<i32>} : memref<64x768xf32, #tpu.memory_space<vmem>>, vector<16xf32>,
      %add3A_263 = arith.addf %get3A_259, %get3A_262 : vector<16xf32>
      %swap3A_264 = arith.index_cast %scan3A_18 : i32 to index
      %swap3A_265 = arith.constant 384 : index
      %swap3A_266 = tpu.vector_load %arg8[%swap3A_264, %swap3A_265] {strides = array<i32>} : memref<64x768xf32, #tpu.memory_space<vmem>>, vector<16xf32>,
      tpu.vector_store %arg8[%swap3A_264, %swap3A_265], %add3A_263 {strides = array<i32>} : memref<64x768xf32, #tpu.memory_space<vmem>>, vector<16xf32>,
      %get3A_267 = arith.index_cast %scan3A_18 : i32 to index
      %get3A_268 = arith.constant 400 : index
      %get3A_269 = tpu.vector_load %arg8[%get3A_267, %get3A_268] {strides = array<i32>} : memref<64x768xf32, #tpu.memory_space<vmem>>, vector<16xf32>,
      %get3A_270 = arith.index_cast %scan3A_18 : i32 to index
      %get3A_271 = arith.constant 400 : index
      %get3A_272 = tpu.vector_load %arg9[%get3A_270, %get3A_271] {strides = array<i32>} : memref<64x768xf32, #tpu.memory_space<vmem>>, vector<16xf32>,
      %add3A_273 = arith.addf %get3A_269, %get3A_272 : vector<16xf32>
      %swap3A_274 = arith.index_cast %scan3A_18 : i32 to index
      %swap3A_275 = arith.constant 400 : index
      %swap3A_276 = tpu.vector_load %arg8[%swap3A_274, %swap3A_275] {strides = array<i32>} : memref<64x768xf32, #tpu.memory_space<vmem>>, vector<16xf32>,
      tpu.vector_store %arg8[%swap3A_274, %swap3A_275], %add3A_273 {strides = array<i32>} : memref<64x768xf32, #tpu.memory_space<vmem>>, vector<16xf32>,
      %get3A_277 = arith.index_cast %scan3A_18 : i32 to index
      %get3A_278 = arith.constant 416 : index
      %get3A_279 = tpu.vector_load %arg8[%get3A_277, %get3A_278] {strides = array<i32>} : memref<64x768xf32, #tpu.memory_space<vmem>>, vector<16xf32>,
      %get3A_280 = arith.index_cast %scan3A_18 : i32 to index
      %get3A_281 = arith.constant 416 : index
      %get3A_282 = tpu.vector_load %arg9[%get3A_280, %get3A_281] {strides = array<i32>} : memref<64x768xf32, #tpu.memory_space<vmem>>, vector<16xf32>,
      %add3A_283 = arith.addf %get3A_279, %get3A_282 : vector<16xf32>
      %swap3A_284 = arith.index_cast %scan3A_18 : i32 to index
      %swap3A_285 = arith.constant 416 : index
      %swap3A_286 = tpu.vector_load %arg8[%swap3A_284, %swap3A_285] {strides = array<i32>} : memref<64x768xf32, #tpu.memory_space<vmem>>, vector<16xf32>,
      tpu.vector_store %arg8[%swap3A_284, %swap3A_285], %add3A_283 {strides = array<i32>} : memref<64x768xf32, #tpu.memory_space<vmem>>, vector<16xf32>,
      %get3A_287 = arith.index_cast %scan3A_18 : i32 to index
      %get3A_288 = arith.constant 432 : index
      %get3A_289 = tpu.vector_load %arg8[%get3A_287, %get3A_288] {strides = array<i32>} : memref<64x768xf32, #tpu.memory_space<vmem>>, vector<16xf32>,
      %get3A_290 = arith.index_cast %scan3A_18 : i32 to index
      %get3A_291 = arith.constant 432 : index
      %get3A_292 = tpu.vector_load %arg9[%get3A_290, %get3A_291] {strides = array<i32>} : memref<64x768xf32, #tpu.memory_space<vmem>>, vector<16xf32>,
      %add3A_293 = arith.addf %get3A_289, %get3A_292 : vector<16xf32>
      %swap3A_294 = arith.index_cast %scan3A_18 : i32 to index
      %swap3A_295 = arith.constant 432 : index
      %swap3A_296 = tpu.vector_load %arg8[%swap3A_294, %swap3A_295] {strides = array<i32>} : memref<64x768xf32, #tpu.memory_space<vmem>>, vector<16xf32>,
      tpu.vector_store %arg8[%swap3A_294, %swap3A_295], %add3A_293 {strides = array<i32>} : memref<64x768xf32, #tpu.memory_space<vmem>>, vector<16xf32>,
      %get3A_297 = arith.index_cast %scan3A_18 : i32 to index
      %get3A_298 = arith.constant 448 : index
      %get3A_299 = tpu.vector_load %arg8[%get3A_297, %get3A_298] {strides = array<i32>} : memref<64x768xf32, #tpu.memory_space<vmem>>, vector<16xf32>,
      %get3A_300 = arith.index_cast %scan3A_18 : i32 to index
      %get3A_301 = arith.constant 448 : index
      %get3A_302 = tpu.vector_load %arg9[%get3A_300, %get3A_301] {strides = array<i32>} : memref<64x768xf32, #tpu.memory_space<vmem>>, vector<16xf32>,
      %add3A_303 = arith.addf %get3A_299, %get3A_302 : vector<16xf32>
      %swap3A_304 = arith.index_cast %scan3A_18 : i32 to index
      %swap3A_305 = arith.constant 448 : index
      %swap3A_306 = tpu.vector_load %arg8[%swap3A_304, %swap3A_305] {strides = array<i32>} : memref<64x768xf32, #tpu.memory_space<vmem>>, vector<16xf32>,
      tpu.vector_store %arg8[%swap3A_304, %swap3A_305], %add3A_303 {strides = array<i32>} : memref<64x768xf32, #tpu.memory_space<vmem>>, vector<16xf32>,
      %get3A_307 = arith.index_cast %scan3A_18 : i32 to index
      %get3A_308 = arith.constant 464 : index
      %get3A_309 = tpu.vector_load %arg8[%get3A_307, %get3A_308] {strides = array<i32>} : memref<64x768xf32, #tpu.memory_space<vmem>>, vector<16xf32>,
      %get3A_310 = arith.index_cast %scan3A_18 : i32 to index
      %get3A_311 = arith.constant 464 : index
      %get3A_312 = tpu.vector_load %arg9[%get3A_310, %get3A_311] {strides = array<i32>} : memref<64x768xf32, #tpu.memory_space<vmem>>, vector<16xf32>,
      %add3A_313 = arith.addf %get3A_309, %get3A_312 : vector<16xf32>
      %swap3A_314 = arith.index_cast %scan3A_18 : i32 to index
      %swap3A_315 = arith.constant 464 : index
      %swap3A_316 = tpu.vector_load %arg8[%swap3A_314, %swap3A_315] {strides = array<i32>} : memref<64x768xf32, #tpu.memory_space<vmem>>, vector<16xf32>,
      tpu.vector_store %arg8[%swap3A_314, %swap3A_315], %add3A_313 {strides = array<i32>} : memref<64x768xf32, #tpu.memory_space<vmem>>, vector<16xf32>,
      %get3A_317 = arith.index_cast %scan3A_18 : i32 to index
      %get3A_318 = arith.constant 480 : index
      %get3A_319 = tpu.vector_load %arg8[%get3A_317, %get3A_318] {strides = array<i32>} : memref<64x768xf32, #tpu.memory_space<vmem>>, vector<16xf32>,
      %get3A_320 = arith.index_cast %scan3A_18 : i32 to index
      %get3A_321 = arith.constant 480 : index
      %get3A_322 = tpu.vector_load %arg9[%get3A_320, %get3A_321] {strides = array<i32>} : memref<64x768xf32, #tpu.memory_space<vmem>>, vector<16xf32>,
      %add3A_323 = arith.addf %get3A_319, %get3A_322 : vector<16xf32>
      %swap3A_324 = arith.index_cast %scan3A_18 : i32 to index
      %swap3A_325 = arith.constant 480 : index
      %swap3A_326 = tpu.vector_load %arg8[%swap3A_324, %swap3A_325] {strides = array<i32>} : memref<64x768xf32, #tpu.memory_space<vmem>>, vector<16xf32>,
      tpu.vector_store %arg8[%swap3A_324, %swap3A_325], %add3A_323 {strides = array<i32>} : memref<64x768xf32, #tpu.memory_space<vmem>>, vector<16xf32>,
      %get3A_327 = arith.index_cast %scan3A_18 : i32 to index
      %get3A_328 = arith.constant 496 : index
      %get3A_329 = tpu.vector_load %arg8[%get3A_327, %get3A_328] {strides = array<i32>} : memref<64x768xf32, #tpu.memory_space<vmem>>, vector<16xf32>,
      %get3A_330 = arith.index_cast %scan3A_18 : i32 to index
      %get3A_331 = arith.constant 496 : index
      %get3A_332 = tpu.vector_load %arg9[%get3A_330, %get3A_331] {strides = array<i32>} : memref<64x768xf32, #tpu.memory_space<vmem>>, vector<16xf32>,
      %add3A_333 = arith.addf %get3A_329, %get3A_332 : vector<16xf32>
      %swap3A_334 = arith.index_cast %scan3A_18 : i32 to index
      %swap3A_335 = arith.constant 496 : index
      %swap3A_336 = tpu.vector_load %arg8[%swap3A_334, %swap3A_335] {strides = array<i32>} : memref<64x768xf32, #tpu.memory_space<vmem>>, vector<16xf32>,
      tpu.vector_store %arg8[%swap3A_334, %swap3A_335], %add3A_333 {strides = array<i32>} : memref<64x768xf32, #tpu.memory_space<vmem>>, vector<16xf32>,
      %get3A_337 = arith.index_cast %scan3A_18 : i32 to index
      %get3A_338 = arith.constant 512 : index
      %get3A_339 = tpu.vector_load %arg8[%get3A_337, %get3A_338] {strides = array<i32>} : memref<64x768xf32, #tpu.memory_space<vmem>>, vector<16xf32>,
      %get3A_340 = arith.index_cast %scan3A_18 : i32 to index
      %get3A_341 = arith.constant 512 : index
      %get3A_342 = tpu.vector_load %arg9[%get3A_340, %get3A_341] {strides = array<i32>} : memref<64x768xf32, #tpu.memory_space<vmem>>, vector<16xf32>,
      %add3A_343 = arith.addf %get3A_339, %get3A_342 : vector<16xf32>
      %swap3A_344 = arith.index_cast %scan3A_18 : i32 to index
      %swap3A_345 = arith.constant 512 : index
      %swap3A_346 = tpu.vector_load %arg8[%swap3A_344, %swap3A_345] {strides = array<i32>} : memref<64x768xf32, #tpu.memory_space<vmem>>, vector<16xf32>,
      tpu.vector_store %arg8[%swap3A_344, %swap3A_345], %add3A_343 {strides = array<i32>} : memref<64x768xf32, #tpu.memory_space<vmem>>, vector<16xf32>,
      %get3A_347 = arith.index_cast %scan3A_18 : i32 to index
      %get3A_348 = arith.constant 528 : index
      %get3A_349 = tpu.vector_load %arg8[%get3A_347, %get3A_348] {strides = array<i32>} : memref<64x768xf32, #tpu.memory_space<vmem>>, vector<16xf32>,
      %get3A_350 = arith.index_cast %scan3A_18 : i32 to index
      %get3A_351 = arith.constant 528 : index
      %get3A_352 = tpu.vector_load %arg9[%get3A_350, %get3A_351] {strides = array<i32>} : memref<64x768xf32, #tpu.memory_space<vmem>>, vector<16xf32>,
      %add3A_353 = arith.addf %get3A_349, %get3A_352 : vector<16xf32>
      %swap3A_354 = arith.index_cast %scan3A_18 : i32 to index
      %swap3A_355 = arith.constant 528 : index
      %swap3A_356 = tpu.vector_load %arg8[%swap3A_354, %swap3A_355] {strides = array<i32>} : memref<64x768xf32, #tpu.memory_space<vmem>>, vector<16xf32>,
      tpu.vector_store %arg8[%swap3A_354, %swap3A_355], %add3A_353 {strides = array<i32>} : memref<64x768xf32, #tpu.memory_space<vmem>>, vector<16xf32>,
      %get3A_357 = arith.index_cast %scan3A_18 : i32 to index
      %get3A_358 = arith.constant 544 : index
      %get3A_359 = tpu.vector_load %arg8[%get3A_357, %get3A_358] {strides = array<i32>} : memref<64x768xf32, #tpu.memory_space<vmem>>, vector<16xf32>,
      %get3A_360 = arith.index_cast %scan3A_18 : i32 to index
      %get3A_361 = arith.constant 544 : index
      %get3A_362 = tpu.vector_load %arg9[%get3A_360, %get3A_361] {strides = array<i32>} : memref<64x768xf32, #tpu.memory_space<vmem>>, vector<16xf32>,
      %add3A_363 = arith.addf %get3A_359, %get3A_362 : vector<16xf32>
      %swap3A_364 = arith.index_cast %scan3A_18 : i32 to index
      %swap3A_365 = arith.constant 544 : index
      %swap3A_366 = tpu.vector_load %arg8[%swap3A_364, %swap3A_365] {strides = array<i32>} : memref<64x768xf32, #tpu.memory_space<vmem>>, vector<16xf32>,
      tpu.vector_store %arg8[%swap3A_364, %swap3A_365], %add3A_363 {strides = array<i32>} : memref<64x768xf32, #tpu.memory_space<vmem>>, vector<16xf32>,
      %get3A_367 = arith.index_cast %scan3A_18 : i32 to index
      %get3A_368 = arith.constant 560 : index
      %get3A_369 = tpu.vector_load %arg8[%get3A_367, %get3A_368] {strides = array<i32>} : memref<64x768xf32, #tpu.memory_space<vmem>>, vector<16xf32>,
      %get3A_370 = arith.index_cast %scan3A_18 : i32 to index
      %get3A_371 = arith.constant 560 : index
      %get3A_372 = tpu.vector_load %arg9[%get3A_370, %get3A_371] {strides = array<i32>} : memref<64x768xf32, #tpu.memory_space<vmem>>, vector<16xf32>,
      %add3A_373 = arith.addf %get3A_369, %get3A_372 : vector<16xf32>
      %swap3A_374 = arith.index_cast %scan3A_18 : i32 to index
      %swap3A_375 = arith.constant 560 : index
      %swap3A_376 = tpu.vector_load %arg8[%swap3A_374, %swap3A_375] {strides = array<i32>} : memref<64x768xf32, #tpu.memory_space<vmem>>, vector<16xf32>,
      tpu.vector_store %arg8[%swap3A_374, %swap3A_375], %add3A_373 {strides = array<i32>} : memref<64x768xf32, #tpu.memory_space<vmem>>, vector<16xf32>,
      %get3A_377 = arith.index_cast %scan3A_18 : i32 to index
      %get3A_378 = arith.constant 576 : index
      %get3A_379 = tpu.vector_load %arg8[%get3A_377, %get3A_378] {strides = array<i32>} : memref<64x768xf32, #tpu.memory_space<vmem>>, vector<16xf32>,
      %get3A_380 = arith.index_cast %scan3A_18 : i32 to index
      %get3A_381 = arith.constant 576 : index
      %get3A_382 = tpu.vector_load %arg9[%get3A_380, %get3A_381] {strides = array<i32>} : memref<64x768xf32, #tpu.memory_space<vmem>>, vector<16xf32>,
      %add3A_383 = arith.addf %get3A_379, %get3A_382 : vector<16xf32>
      %swap3A_384 = arith.index_cast %scan3A_18 : i32 to index
      %swap3A_385 = arith.constant 576 : index
      %swap3A_386 = tpu.vector_load %arg8[%swap3A_384, %swap3A_385] {strides = array<i32>} : memref<64x768xf32, #tpu.memory_space<vmem>>, vector<16xf32>,
      tpu.vector_store %arg8[%swap3A_384, %swap3A_385], %add3A_383 {strides = array<i32>} : memref<64x768xf32, #tpu.memory_space<vmem>>, vector<16xf32>,
      %get3A_387 = arith.index_cast %scan3A_18 : i32 to index
      %get3A_388 = arith.constant 592 : index
      %get3A_389 = tpu.vector_load %arg8[%get3A_387, %get3A_388] {strides = array<i32>} : memref<64x768xf32, #tpu.memory_space<vmem>>, vector<16xf32>,
      %get3A_390 = arith.index_cast %scan3A_18 : i32 to index
      %get3A_391 = arith.constant 592 : index
      %get3A_392 = tpu.vector_load %arg9[%get3A_390, %get3A_391] {strides = array<i32>} : memref<64x768xf32, #tpu.memory_space<vmem>>, vector<16xf32>,
      %add3A_393 = arith.addf %get3A_389, %get3A_392 : vector<16xf32>
      %swap3A_394 = arith.index_cast %scan3A_18 : i32 to index
      %swap3A_395 = arith.constant 592 : index
      %swap3A_396 = tpu.vector_load %arg8[%swap3A_394, %swap3A_395] {strides = array<i32>} : memref<64x768xf32, #tpu.memory_space<vmem>>, vector<16xf32>,
      tpu.vector_store %arg8[%swap3A_394, %swap3A_395], %add3A_393 {strides = array<i32>} : memref<64x768xf32, #tpu.memory_space<vmem>>, vector<16xf32>,
      %get3A_397 = arith.index_cast %scan3A_18 : i32 to index
      %get3A_398 = arith.constant 608 : index
      %get3A_399 = tpu.vector_load %arg8[%get3A_397, %get3A_398] {strides = array<i32>} : memref<64x768xf32, #tpu.memory_space<vmem>>, vector<16xf32>,
      %get3A_400 = arith.index_cast %scan3A_18 : i32 to index
      %get3A_401 = arith.constant 608 : index
      %get3A_402 = tpu.vector_load %arg9[%get3A_400, %get3A_401] {strides = array<i32>} : memref<64x768xf32, #tpu.memory_space<vmem>>, vector<16xf32>,
      %add3A_403 = arith.addf %get3A_399, %get3A_402 : vector<16xf32>
      %swap3A_404 = arith.index_cast %scan3A_18 : i32 to index
      %swap3A_405 = arith.constant 608 : index
      %swap3A_406 = tpu.vector_load %arg8[%swap3A_404, %swap3A_405] {strides = array<i32>} : memref<64x768xf32, #tpu.memory_space<vmem>>, vector<16xf32>,
      tpu.vector_store %arg8[%swap3A_404, %swap3A_405], %add3A_403 {strides = array<i32>} : memref<64x768xf32, #tpu.memory_space<vmem>>, vector<16xf32>,
      %get3A_407 = arith.index_cast %scan3A_18 : i32 to index
      %get3A_408 = arith.constant 624 : index
      %get3A_409 = tpu.vector_load %arg8[%get3A_407, %get3A_408] {strides = array<i32>} : memref<64x768xf32, #tpu.memory_space<vmem>>, vector<16xf32>,
      %get3A_410 = arith.index_cast %scan3A_18 : i32 to index
      %get3A_411 = arith.constant 624 : index
      %get3A_412 = tpu.vector_load %arg9[%get3A_410, %get3A_411] {strides = array<i32>} : memref<64x768xf32, #tpu.memory_space<vmem>>, vector<16xf32>,
      %add3A_413 = arith.addf %get3A_409, %get3A_412 : vector<16xf32>
      %swap3A_414 = arith.index_cast %scan3A_18 : i32 to index
      %swap3A_415 = arith.constant 624 : index
      %swap3A_416 = tpu.vector_load %arg8[%swap3A_414, %swap3A_415] {strides = array<i32>} : memref<64x768xf32, #tpu.memory_space<vmem>>, vector<16xf32>,
      tpu.vector_store %arg8[%swap3A_414, %swap3A_415], %add3A_413 {strides = array<i32>} : memref<64x768xf32, #tpu.memory_space<vmem>>, vector<16xf32>,
      %get3A_417 = arith.index_cast %scan3A_18 : i32 to index
      %get3A_418 = arith.constant 640 : index
      %get3A_419 = tpu.vector_load %arg8[%get3A_417, %get3A_418] {strides = array<i32>} : memref<64x768xf32, #tpu.memory_space<vmem>>, vector<16xf32>,
      %get3A_420 = arith.index_cast %scan3A_18 : i32 to index
      %get3A_421 = arith.constant 640 : index
      %get3A_422 = tpu.vector_load %arg9[%get3A_420, %get3A_421] {strides = array<i32>} : memref<64x768xf32, #tpu.memory_space<vmem>>, vector<16xf32>,
      %add3A_423 = arith.addf %get3A_419, %get3A_422 : vector<16xf32>
      %swap3A_424 = arith.index_cast %scan3A_18 : i32 to index
      %swap3A_425 = arith.constant 640 : index
      %swap3A_426 = tpu.vector_load %arg8[%swap3A_424, %swap3A_425] {strides = array<i32>} : memref<64x768xf32, #tpu.memory_space<vmem>>, vector<16xf32>,
      tpu.vector_store %arg8[%swap3A_424, %swap3A_425], %add3A_423 {strides = array<i32>} : memref<64x768xf32, #tpu.memory_space<vmem>>, vector<16xf32>,
      %get3A_427 = arith.index_cast %scan3A_18 : i32 to index
      %get3A_428 = arith.constant 656 : index
      %get3A_429 = tpu.vector_load %arg8[%get3A_427, %get3A_428] {strides = array<i32>} : memref<64x768xf32, #tpu.memory_space<vmem>>, vector<16xf32>,
      %get3A_430 = arith.index_cast %scan3A_18 : i32 to index
      %get3A_431 = arith.constant 656 : index
      %get3A_432 = tpu.vector_load %arg9[%get3A_430, %get3A_431] {strides = array<i32>} : memref<64x768xf32, #tpu.memory_space<vmem>>, vector<16xf32>,
      %add3A_433 = arith.addf %get3A_429, %get3A_432 : vector<16xf32>
      %swap3A_434 = arith.index_cast %scan3A_18 : i32 to index
      %swap3A_435 = arith.constant 656 : index
      %swap3A_436 = tpu.vector_load %arg8[%swap3A_434, %swap3A_435] {strides = array<i32>} : memref<64x768xf32, #tpu.memory_space<vmem>>, vector<16xf32>,
      tpu.vector_store %arg8[%swap3A_434, %swap3A_435], %add3A_433 {strides = array<i32>} : memref<64x768xf32, #tpu.memory_space<vmem>>, vector<16xf32>,
      %get3A_437 = arith.index_cast %scan3A_18 : i32 to index
      %get3A_438 = arith.constant 672 : index
      %get3A_439 = tpu.vector_load %arg8[%get3A_437, %get3A_438] {strides = array<i32>} : memref<64x768xf32, #tpu.memory_space<vmem>>, vector<16xf32>,
      %get3A_440 = arith.index_cast %scan3A_18 : i32 to index
      %get3A_441 = arith.constant 672 : index
      %get3A_442 = tpu.vector_load %arg9[%get3A_440, %get3A_441] {strides = array<i32>} : memref<64x768xf32, #tpu.memory_space<vmem>>, vector<16xf32>,
      %add3A_443 = arith.addf %get3A_439, %get3A_442 : vector<16xf32>
      %swap3A_444 = arith.index_cast %scan3A_18 : i32 to index
      %swap3A_445 = arith.constant 672 : index
      %swap3A_446 = tpu.vector_load %arg8[%swap3A_444, %swap3A_445] {strides = array<i32>} : memref<64x768xf32, #tpu.memory_space<vmem>>, vector<16xf32>,
      tpu.vector_store %arg8[%swap3A_444, %swap3A_445], %add3A_443 {strides = array<i32>} : memref<64x768xf32, #tpu.memory_space<vmem>>, vector<16xf32>,
      %get3A_447 = arith.index_cast %scan3A_18 : i32 to index
      %get3A_448 = arith.constant 688 : index
      %get3A_449 = tpu.vector_load %arg8[%get3A_447, %get3A_448] {strides = array<i32>} : memref<64x768xf32, #tpu.memory_space<vmem>>, vector<16xf32>,
      %get3A_450 = arith.index_cast %scan3A_18 : i32 to index
      %get3A_451 = arith.constant 688 : index
      %get3A_452 = tpu.vector_load %arg9[%get3A_450, %get3A_451] {strides = array<i32>} : memref<64x768xf32, #tpu.memory_space<vmem>>, vector<16xf32>,
      %add3A_453 = arith.addf %get3A_449, %get3A_452 : vector<16xf32>
      %swap3A_454 = arith.index_cast %scan3A_18 : i32 to index
      %swap3A_455 = arith.constant 688 : index
      %swap3A_456 = tpu.vector_load %arg8[%swap3A_454, %swap3A_455] {strides = array<i32>} : memref<64x768xf32, #tpu.memory_space<vmem>>, vector<16xf32>,
      tpu.vector_store %arg8[%swap3A_454, %swap3A_455], %add3A_453 {strides = array<i32>} : memref<64x768xf32, #tpu.memory_space<vmem>>, vector<16xf32>,
      %get3A_457 = arith.index_cast %scan3A_18 : i32 to index
      %get3A_458 = arith.constant 704 : index
      %get3A_459 = tpu.vector_load %arg8[%get3A_457, %get3A_458] {strides = array<i32>} : memref<64x768xf32, #tpu.memory_space<vmem>>, vector<16xf32>,
      %get3A_460 = arith.index_cast %scan3A_18 : i32 to index
      %get3A_461 = arith.constant 704 : index
      %get3A_462 = tpu.vector_load %arg9[%get3A_460, %get3A_461] {strides = array<i32>} : memref<64x768xf32, #tpu.memory_space<vmem>>, vector<16xf32>,
      %add3A_463 = arith.addf %get3A_459, %get3A_462 : vector<16xf32>
      %swap3A_464 = arith.index_cast %scan3A_18 : i32 to index
      %swap3A_465 = arith.constant 704 : index
      %swap3A_466 = tpu.vector_load %arg8[%swap3A_464, %swap3A_465] {strides = array<i32>} : memref<64x768xf32, #tpu.memory_space<vmem>>, vector<16xf32>,
      tpu.vector_store %arg8[%swap3A_464, %swap3A_465], %add3A_463 {strides = array<i32>} : memref<64x768xf32, #tpu.memory_space<vmem>>, vector<16xf32>,
      %get3A_467 = arith.index_cast %scan3A_18 : i32 to index
      %get3A_468 = arith.constant 720 : index
      %get3A_469 = tpu.vector_load %arg8[%get3A_467, %get3A_468] {strides = array<i32>} : memref<64x768xf32, #tpu.memory_space<vmem>>, vector<16xf32>,
      %get3A_470 = arith.index_cast %scan3A_18 : i32 to index
      %get3A_471 = arith.constant 720 : index
      %get3A_472 = tpu.vector_load %arg9[%get3A_470, %get3A_471] {strides = array<i32>} : memref<64x768xf32, #tpu.memory_space<vmem>>, vector<16xf32>,
      %add3A_473 = arith.addf %get3A_469, %get3A_472 : vector<16xf32>
      %swap3A_474 = arith.index_cast %scan3A_18 : i32 to index
      %swap3A_475 = arith.constant 720 : index
      %swap3A_476 = tpu.vector_load %arg8[%swap3A_474, %swap3A_475] {strides = array<i32>} : memref<64x768xf32, #tpu.memory_space<vmem>>, vector<16xf32>,
      tpu.vector_store %arg8[%swap3A_474, %swap3A_475], %add3A_473 {strides = array<i32>} : memref<64x768xf32, #tpu.memory_space<vmem>>, vector<16xf32>,
      %get3A_477 = arith.index_cast %scan3A_18 : i32 to index
      %get3A_478 = arith.constant 736 : index
      %get3A_479 = tpu.vector_load %arg8[%get3A_477, %get3A_478] {strides = array<i32>} : memref<64x768xf32, #tpu.memory_space<vmem>>, vector<16xf32>,
      %get3A_480 = arith.index_cast %scan3A_18 : i32 to index
      %get3A_481 = arith.constant 736 : index
      %get3A_482 = tpu.vector_load %arg9[%get3A_480, %get3A_481] {strides = array<i32>} : memref<64x768xf32, #tpu.memory_space<vmem>>, vector<16xf32>,
      %add3A_483 = arith.addf %get3A_479, %get3A_482 : vector<16xf32>
      %swap3A_484 = arith.index_cast %scan3A_18 : i32 to index
      %swap3A_485 = arith.constant 736 : index
      %swap3A_486 = tpu.vector_load %arg8[%swap3A_484, %swap3A_485] {strides = array<i32>} : memref<64x768xf32, #tpu.memory_space<vmem>>, vector<16xf32>,
      tpu.vector_store %arg8[%swap3A_484, %swap3A_485], %add3A_483 {strides = array<i32>} : memref<64x768xf32, #tpu.memory_space<vmem>>, vector<16xf32>,
      %get3A_487 = arith.index_cast %scan3A_18 : i32 to index
      %get3A_488 = arith.constant 752 : index
      %get3A_489 = tpu.vector_load %arg8[%get3A_487, %get3A_488] {strides = array<i32>} : memref<64x768xf32, #tpu.memory_space<vmem>>, vector<16xf32>,
      %get3A_490 = arith.index_cast %scan3A_18 : i32 to index
      %get3A_491 = arith.constant 752 : index
      %get3A_492 = tpu.vector_load %arg9[%get3A_490, %get3A_491] {strides = array<i32>} : memref<64x768xf32, #tpu.memory_space<vmem>>, vector<16xf32>,
      %add3A_493 = arith.addf %get3A_489, %get3A_492 : vector<16xf32>
      %swap3A_494 = arith.index_cast %scan3A_18 : i32 to index
      %swap3A_495 = arith.constant 752 : index
      %swap3A_496 = tpu.vector_load %arg8[%swap3A_494, %swap3A_495] {strides = array<i32>} : memref<64x768xf32, #tpu.memory_space<vmem>>, vector<16xf32>,
      tpu.vector_store %arg8[%swap3A_494, %swap3A_495], %add3A_493 {strides = array<i32>} : memref<64x768xf32, #tpu.memory_space<vmem>>, vector<16xf32>,
    }
    %scan3A_17 = arith.constant 64 : i32
    "tpu.region"() ({
      %run_scoped3A = tpu.sem_alloc : memref<!tpu.dma_semaphore, #tpu.memory_space<semaphore_mem>>
      %dma_start3A_18 = arith.constant 0 : i32
      %dma_start3A_19 = tpu.memref_slice %arg5[%mul3A_2, %dma_start3A_18] : memref<2048x768xf32, #tpu.memory_space<hbm>> -> memref<64x768xf32, #tpu.memory_space<hbm>>
      %dma_start3A_20 = arith.constant 0 : i32
      %dma_start3A_21 = tpu.memref_slice %arg5[%mul3A_2, %dma_start3A_20] : memref<2048x768xf32, #tpu.memory_space<hbm>> -> memref<64x768xf32, #tpu.memory_space<hbm>>
      tpu.enqueue_dma source(%arg8 : memref<64x768xf32, #tpu.memory_space<vmem>>) target(%dma_start3A_21 : memref<64x768xf32, #tpu.memory_space<hbm>>) target_semaphore(%run_scoped3A : memref<!tpu.dma_semaphore, #tpu.memory_space<semaphore_mem>>)
      %dma_wait3A_22 = arith.constant 0 : i32
      %dma_wait3A_23 = tpu.memref_slice %arg5[%mul3A_2, %dma_wait3A_22] : memref<2048x768xf32, #tpu.memory_space<hbm>> -> memref<64x768xf32, #tpu.memory_space<hbm>>
      %dma_wait3A_24 = arith.constant 0 : i32
      %dma_wait3A_25 = tpu.memref_slice %arg5[%mul3A_2, %dma_wait3A_24] : memref<2048x768xf32, #tpu.memory_space<hbm>> -> memref<64x768xf32, #tpu.memory_space<hbm>>
      tpu.wait_dma2 semaphore(%run_scoped3A : memref<!tpu.dma_semaphore, #tpu.memory_space<semaphore_mem>>) src(%arg8 : memref<64x768xf32, #tpu.memory_space<vmem>>) dst(%dma_wait3A_25 : memref<64x768xf32, #tpu.memory_space<hbm>>)
      tpu.yield
    }) : () -> ()
    return
  }
}

#map = affine_map<(d0, d1) -> (0)>
module attributes {stable_mosaic.version = 14 : i64} {
  func.func @_scatter_body(%arg0: i32, %arg1: i32, %arg2: memref<2048xi32, #tpu.memory_space<hbm>>, %arg3: memref<2048xi32, #tpu.memory_space<hbm>>, %arg4: memref<2048xf32, #tpu.memory_space<hbm>>, %arg5: memref<2048xf32, #tpu.memory_space<hbm>>, %arg6: memref<5120xi32, #tpu.memory_space<hbm>>, %arg7: memref<5120xf32, #tpu.memory_space<hbm>>, %arg8: memref<5120xi32, #tpu.memory_space<vmem>>, %arg9: memref<5120xf32, #tpu.memory_space<vmem>>, %arg10: memref<2048xi32, #tpu.memory_space<vmem>>, %arg11: memref<2048xi32, #tpu.memory_space<vmem>>, %arg12: memref<2048xf32, #tpu.memory_space<vmem>>, %arg13: memref<2048xf32, #tpu.memory_space<vmem>>) attributes {dimension_semantics = [#tpu.dimension_semantics<core_parallel>, #tpu.dimension_semantics<subcore_parallel>], iteration_bounds = array<i64: 2, 16>, scalar_prefetch = 0 : i64, scratch_operands = 6 : i64, tpu.core_type = #tpu.core_type<sc_vector_subcore>, window_params = [{transform_indices = #map}, {transform_indices = #map}, {transform_indices = #map}, {transform_indices = #map}, {transform_indices = #map}, {transform_indices = #map}]} {
    %mul3A = arith.constant 2 : i32
    %mul3A_0 = arith.muli %arg1, %mul3A : i32
    %add3A = arith.addi %mul3A_0, %arg0 : i32
    %eq3A = arith.constant 0 : i32
    %eq3A_1 = arith.cmpi eq, %add3A, %eq3A : i32
    %convert_element_type3A = arith.extui %eq3A_1 : i1 to i32
    %cond3A = arith.constant 0 : i32
    %cond3A_2 = arith.cmpi ne, %convert_element_type3A, %cond3A : i32
    scf.if %cond3A_2 {
      "tpu.region"() ({
        %run_scoped3A = tpu.sem_alloc : memref<!tpu.dma_semaphore, #tpu.memory_space<semaphore_mem>>
        tpu.enqueue_dma source(%arg2 : memref<2048xi32, #tpu.memory_space<hbm>>) target(%arg10 : memref<2048xi32, #tpu.memory_space<vmem>>) target_semaphore(%run_scoped3A : memref<!tpu.dma_semaphore, #tpu.memory_space<semaphore_mem>>)
        tpu.wait_dma2 semaphore(%run_scoped3A : memref<!tpu.dma_semaphore, #tpu.memory_space<semaphore_mem>>) src(%arg2 : memref<2048xi32, #tpu.memory_space<hbm>>) dst(%arg10 : memref<2048xi32, #tpu.memory_space<vmem>>)
        tpu.yield
      }) : () -> ()
      "tpu.region"() ({
        %run_scoped3A = tpu.sem_alloc : memref<!tpu.dma_semaphore, #tpu.memory_space<semaphore_mem>>
        tpu.enqueue_dma source(%arg3 : memref<2048xi32, #tpu.memory_space<hbm>>) target(%arg11 : memref<2048xi32, #tpu.memory_space<vmem>>) target_semaphore(%run_scoped3A : memref<!tpu.dma_semaphore, #tpu.memory_space<semaphore_mem>>)
        tpu.wait_dma2 semaphore(%run_scoped3A : memref<!tpu.dma_semaphore, #tpu.memory_space<semaphore_mem>>) src(%arg3 : memref<2048xi32, #tpu.memory_space<hbm>>) dst(%arg11 : memref<2048xi32, #tpu.memory_space<vmem>>)
        tpu.yield
      }) : () -> ()
      "tpu.region"() ({
        %run_scoped3A = tpu.sem_alloc : memref<!tpu.dma_semaphore, #tpu.memory_space<semaphore_mem>>
        tpu.enqueue_dma source(%arg4 : memref<2048xf32, #tpu.memory_space<hbm>>) target(%arg12 : memref<2048xf32, #tpu.memory_space<vmem>>) target_semaphore(%run_scoped3A : memref<!tpu.dma_semaphore, #tpu.memory_space<semaphore_mem>>)
        tpu.wait_dma2 semaphore(%run_scoped3A : memref<!tpu.dma_semaphore, #tpu.memory_space<semaphore_mem>>) src(%arg4 : memref<2048xf32, #tpu.memory_space<hbm>>) dst(%arg12 : memref<2048xf32, #tpu.memory_space<vmem>>)
        tpu.yield
      }) : () -> ()
      "tpu.region"() ({
        %run_scoped3A = tpu.sem_alloc : memref<!tpu.dma_semaphore, #tpu.memory_space<semaphore_mem>>
        tpu.enqueue_dma source(%arg5 : memref<2048xf32, #tpu.memory_space<hbm>>) target(%arg13 : memref<2048xf32, #tpu.memory_space<vmem>>) target_semaphore(%run_scoped3A : memref<!tpu.dma_semaphore, #tpu.memory_space<semaphore_mem>>)
        tpu.wait_dma2 semaphore(%run_scoped3A : memref<!tpu.dma_semaphore, #tpu.memory_space<semaphore_mem>>) src(%arg5 : memref<2048xf32, #tpu.memory_space<hbm>>) dst(%arg13 : memref<2048xf32, #tpu.memory_space<vmem>>)
        tpu.yield
      }) : () -> ()
      %broadcast_in_dim3A = arith.constant 0 : i32
      %broadcast_in_dim3A_3 = vector.broadcast %broadcast_in_dim3A : i32 to vector<16xi32>
      %broadcast_in_dim3A_4 = arith.constant 0.000000e+00 : f32
      %broadcast_in_dim3A_5 = vector.broadcast %broadcast_in_dim3A_4 : f32 to vector<16xf32>
      %scan3A = arith.constant 0 : i32
      %scan3A_6 = arith.constant 0 : i32
      %scan3A_7 = arith.constant 320 : i32
      %scan3A_8 = arith.addi %scan3A_6, %scan3A_7 : i32
      %scan3A_9 = arith.constant 1 : i32
      scf.for %scan3A_17 = %scan3A_6 to %scan3A_8 step %scan3A_9  : i32 {
        %mul3A_18 = arith.constant 16 : i32
        %mul3A_19 = arith.muli %scan3A_17, %mul3A_18 : i32
        %swap3A = arith.index_cast %mul3A_19 : i32 to index
        %swap3A_20 = tpu.vector_load %arg8[%swap3A] {strides = array<i32>} : memref<5120xi32, #tpu.memory_space<vmem>>, vector<16xi32>,
        tpu.vector_store %arg8[%swap3A], %broadcast_in_dim3A_3 {strides = array<i32>} : memref<5120xi32, #tpu.memory_space<vmem>>, vector<16xi32>,
        %mul3A_21 = arith.constant 16 : i32
        %mul3A_22 = arith.muli %scan3A_17, %mul3A_21 : i32
        %swap3A_23 = arith.index_cast %mul3A_22 : i32 to index
        %swap3A_24 = tpu.vector_load %arg9[%swap3A_23] {strides = array<i32>} : memref<5120xf32, #tpu.memory_space<vmem>>, vector<16xf32>,
        tpu.vector_store %arg9[%swap3A_23], %broadcast_in_dim3A_5 {strides = array<i32>} : memref<5120xf32, #tpu.memory_space<vmem>>, vector<16xf32>,
      }
      %scan3A_10 = arith.constant 320 : i32
      %iota3A = tpu.iota {dimensions = array<i32: 0>} : vector<16xi32>
      %scan3A_11 = arith.constant 0 : i32
      %scan3A_12 = arith.constant 0 : i32
      %scan3A_13 = arith.constant 128 : i32
      %scan3A_14 = arith.addi %scan3A_12, %scan3A_13 : i32
      %scan3A_15 = arith.constant 1 : i32
      scf.for %scan3A_17 = %scan3A_12 to %scan3A_14 step %scan3A_15  : i32 {
        %mul3A_18 = arith.constant 16 : i32
        %mul3A_19 = arith.muli %scan3A_17, %mul3A_18 : i32
        %mul3A_20 = arith.constant 16 : i32
        %mul3A_21 = arith.muli %scan3A_17, %mul3A_20 : i32
        %add3A_22 = vector.broadcast %mul3A_21 : i32 to vector<16xi32>
        %add3A_23 = arith.addi %add3A_22, %iota3A : vector<16xi32>
        %get3A = arith.index_cast %mul3A_19 : i32 to index
        %get3A_24 = tpu.vector_load %arg10[%get3A] {strides = array<i32>} : memref<2048xi32, #tpu.memory_space<vmem>>, vector<16xi32>,
        tpu.vector_store_idx %arg8[%get3A_24], %add3A_23 : memref<5120xi32, #tpu.memory_space<vmem>>[vector<16xi32>], vector<16xi32>,
        %get3A_25 = arith.index_cast %mul3A_19 : i32 to index
        %get3A_26 = tpu.vector_load %arg12[%get3A_25] {strides = array<i32>} : memref<2048xf32, #tpu.memory_space<vmem>>, vector<16xf32>,
        tpu.vector_store_idx %arg9[%get3A_24], %get3A_26 : memref<5120xf32, #tpu.memory_space<vmem>>[vector<16xi32>], vector<16xf32>,
        %get3A_27 = arith.index_cast %mul3A_19 : i32 to index
        %get3A_28 = tpu.vector_load %arg11[%get3A_27] {strides = array<i32>} : memref<2048xi32, #tpu.memory_space<vmem>>, vector<16xi32>,
        tpu.vector_store_idx %arg8[%get3A_28], %add3A_23 : memref<5120xi32, #tpu.memory_space<vmem>>[vector<16xi32>], vector<16xi32>,
        %get3A_29 = arith.index_cast %mul3A_19 : i32 to index
        %get3A_30 = tpu.vector_load %arg13[%get3A_29] {strides = array<i32>} : memref<2048xf32, #tpu.memory_space<vmem>>, vector<16xf32>,
        tpu.vector_store_idx %arg9[%get3A_28], %get3A_30 : memref<5120xf32, #tpu.memory_space<vmem>>[vector<16xi32>], vector<16xf32>,
      }
      %scan3A_16 = arith.constant 128 : i32
      "tpu.region"() ({
        %run_scoped3A = tpu.sem_alloc : memref<!tpu.dma_semaphore, #tpu.memory_space<semaphore_mem>>
        tpu.enqueue_dma source(%arg8 : memref<5120xi32, #tpu.memory_space<vmem>>) target(%arg6 : memref<5120xi32, #tpu.memory_space<hbm>>) target_semaphore(%run_scoped3A : memref<!tpu.dma_semaphore, #tpu.memory_space<semaphore_mem>>)
        tpu.wait_dma2 semaphore(%run_scoped3A : memref<!tpu.dma_semaphore, #tpu.memory_space<semaphore_mem>>) src(%arg8 : memref<5120xi32, #tpu.memory_space<vmem>>) dst(%arg6 : memref<5120xi32, #tpu.memory_space<hbm>>)
        tpu.yield
      }) : () -> ()
      "tpu.region"() ({
        %run_scoped3A = tpu.sem_alloc : memref<!tpu.dma_semaphore, #tpu.memory_space<semaphore_mem>>
        tpu.enqueue_dma source(%arg9 : memref<5120xf32, #tpu.memory_space<vmem>>) target(%arg7 : memref<5120xf32, #tpu.memory_space<hbm>>) target_semaphore(%run_scoped3A : memref<!tpu.dma_semaphore, #tpu.memory_space<semaphore_mem>>)
        tpu.wait_dma2 semaphore(%run_scoped3A : memref<!tpu.dma_semaphore, #tpu.memory_space<semaphore_mem>>) src(%arg9 : memref<5120xf32, #tpu.memory_space<vmem>>) dst(%arg7 : memref<5120xf32, #tpu.memory_space<hbm>>)
        tpu.yield
      }) : () -> ()
    } else {
    }
    return
  }
}

#map = affine_map<(d0, d1) -> (0, 0)>
#map1 = affine_map<(d0, d1) -> (0)>
module attributes {stable_mosaic.version = 14 : i64} {
  func.func @_gather_body(%arg0: i32, %arg1: i32, %arg2: memref<2048x768xf32, #tpu.memory_space<hbm>>, %arg3: memref<5120xi32, #tpu.memory_space<hbm>>, %arg4: memref<5120x768xf32, #tpu.memory_space<hbm>>, %arg5: memref<160xi32, #tpu.memory_space<vmem>>, %arg6: memref<160x768xf32, #tpu.memory_space<vmem>>, %arg7: memref<!tpu.dma_semaphore, #tpu.memory_space<semaphore_mem>>) attributes {dimension_semantics = [#tpu.dimension_semantics<core_parallel>, #tpu.dimension_semantics<subcore_parallel>], iteration_bounds = array<i64: 2, 16>, scalar_prefetch = 0 : i64, scratch_operands = 3 : i64, tpu.core_type = #tpu.core_type<sc_vector_subcore>, window_params = [{transform_indices = #map}, {transform_indices = #map1}, {transform_indices = #map}]} {
    %mul3A = arith.constant 2 : i32
    %mul3A_0 = arith.muli %arg1, %mul3A : i32
    %add3A = arith.addi %mul3A_0, %arg0 : i32
    %mul3A_1 = arith.constant 160 : i32
    %mul3A_2 = arith.muli %add3A, %mul3A_1 : i32
    "tpu.region"() ({
      %run_scoped3A = tpu.sem_alloc : memref<!tpu.dma_semaphore, #tpu.memory_space<semaphore_mem>>
      %dma_start3A_7 = tpu.memref_slice %arg3[%mul3A_2] : memref<5120xi32, #tpu.memory_space<hbm>> -> memref<160xi32, #tpu.memory_space<hbm>>
      %dma_start3A_8 = tpu.memref_slice %arg3[%mul3A_2] : memref<5120xi32, #tpu.memory_space<hbm>> -> memref<160xi32, #tpu.memory_space<hbm>>
      tpu.enqueue_dma source(%dma_start3A_8 : memref<160xi32, #tpu.memory_space<hbm>>) target(%arg5 : memref<160xi32, #tpu.memory_space<vmem>>) target_semaphore(%run_scoped3A : memref<!tpu.dma_semaphore, #tpu.memory_space<semaphore_mem>>)
      %dma_wait3A_9 = tpu.memref_slice %arg3[%mul3A_2] : memref<5120xi32, #tpu.memory_space<hbm>> -> memref<160xi32, #tpu.memory_space<hbm>>
      %dma_wait3A_10 = tpu.memref_slice %arg3[%mul3A_2] : memref<5120xi32, #tpu.memory_space<hbm>> -> memref<160xi32, #tpu.memory_space<hbm>>
      tpu.wait_dma2 semaphore(%run_scoped3A : memref<!tpu.dma_semaphore, #tpu.memory_space<semaphore_mem>>) src(%dma_wait3A_10 : memref<160xi32, #tpu.memory_space<hbm>>) dst(%arg5 : memref<160xi32, #tpu.memory_space<vmem>>)
      tpu.yield
    }) : () -> ()
    %dma_start3A = arith.constant 0 : i32
    %dma_start3A_3 = arith.constant 0 : i32
    %dma_start3A_4 = tpu.memref_slice %arg2[%dma_start3A, %dma_start3A_3] : memref<2048x768xf32, #tpu.memory_space<hbm>> -> memref<2048x768xf32, #tpu.memory_space<hbm>>
    tpu.enqueue_indirect_dma source(%dma_start3A_4 : memref<2048x768xf32, #tpu.memory_space<hbm>>) target(%arg6 : memref<160x768xf32, #tpu.memory_space<vmem>>) offsets(%arg5 : memref<160xi32, #tpu.memory_space<vmem>>) semaphore(%arg7 : memref<!tpu.dma_semaphore, #tpu.memory_space<semaphore_mem>>)
    %dma_wait3A = arith.constant 0 : i32
    %dma_wait3A_5 = arith.constant 0 : i32
    %dma_wait3A_6 = tpu.memref_slice %arg2[%dma_wait3A, %dma_wait3A_5] : memref<2048x768xf32, #tpu.memory_space<hbm>> -> memref<2048x768xf32, #tpu.memory_space<hbm>>
    tpu.wait_indirect_dma semaphore(%arg7 : memref<!tpu.dma_semaphore, #tpu.memory_space<semaphore_mem>>) src(%dma_wait3A_6 : memref<2048x768xf32, #tpu.memory_space<hbm>>) dst(%arg6 : memref<160x768xf32, #tpu.memory_space<vmem>>)
    "tpu.region"() ({
      %run_scoped3A = tpu.sem_alloc : memref<!tpu.dma_semaphore, #tpu.memory_space<semaphore_mem>>
      %dma_start3A_7 = arith.constant 0 : i32
      %dma_start3A_8 = tpu.memref_slice %arg4[%mul3A_2, %dma_start3A_7] : memref<5120x768xf32, #tpu.memory_space<hbm>> -> memref<160x768xf32, #tpu.memory_space<hbm>>
      %dma_start3A_9 = arith.constant 0 : i32
      %dma_start3A_10 = tpu.memref_slice %arg4[%mul3A_2, %dma_start3A_9] : memref<5120x768xf32, #tpu.memory_space<hbm>> -> memref<160x768xf32, #tpu.memory_space<hbm>>
      tpu.enqueue_dma source(%arg6 : memref<160x768xf32, #tpu.memory_space<vmem>>) target(%dma_start3A_10 : memref<160x768xf32, #tpu.memory_space<hbm>>) target_semaphore(%run_scoped3A : memref<!tpu.dma_semaphore, #tpu.memory_space<semaphore_mem>>)
      %dma_wait3A_11 = arith.constant 0 : i32
      %dma_wait3A_12 = tpu.memref_slice %arg4[%mul3A_2, %dma_wait3A_11] : memref<5120x768xf32, #tpu.memory_space<hbm>> -> memref<160x768xf32, #tpu.memory_space<hbm>>
      %dma_wait3A_13 = arith.constant 0 : i32
      %dma_wait3A_14 = tpu.memref_slice %arg4[%mul3A_2, %dma_wait3A_13] : memref<5120x768xf32, #tpu.memory_space<hbm>> -> memref<160x768xf32, #tpu.memory_space<hbm>>
      tpu.wait_dma2 semaphore(%run_scoped3A : memref<!tpu.dma_semaphore, #tpu.memory_space<semaphore_mem>>) src(%arg6 : memref<160x768xf32, #tpu.memory_space<vmem>>) dst(%dma_wait3A_14 : memref<160x768xf32, #tpu.memory_space<hbm>>)
      tpu.yield
    }) : () -> ()
    return
  }
}

module attributes {stable_mosaic.version = 14 : i64} {
  func.func @_gate_body(%arg0: memref<2048x768xf32, #tpu.memory_space<vmem>>, %arg1: memref<768x8xf32, #tpu.memory_space<vmem>>, %arg2: memref<1x8xf32, #tpu.memory_space<vmem>>, %arg3: memref<2048x1xi32, #tpu.memory_space<vmem>>, %arg4: memref<2048x1xi32, #tpu.memory_space<vmem>>, %arg5: memref<2048x1xf32, #tpu.memory_space<vmem>>, %arg6: memref<2048x1xf32, #tpu.memory_space<vmem>>, %arg7: memref<1x40xi32, #tpu.memory_space<vmem>>) attributes {dimension_semantics = [], scalar_prefetch = 0 : i64, scratch_operands = 0 : i64, tpu.core_type = #tpu.core_type<tc>} {
    %get3A = arith.constant 0 : index
    %get3A_0 = arith.constant 0 : index
    %get3A_1 = vector.load %arg0[%get3A, %get3A_0] : memref<2048x768xf32, #tpu.memory_space<vmem>>, vector<2048x768xf32>
    %get3A_2 = arith.constant 0 : index
    %get3A_3 = arith.constant 0 : index
    %get3A_4 = vector.load %arg1[%get3A_2, %get3A_3] : memref<768x8xf32, #tpu.memory_space<vmem>>, vector<768x8xf32>
    %dot_general3A = arith.constant dense<0.000000e+00> : vector<2048x8xf32>
    %dot_general3A_5 = tpu.matmul %get3A_1, %get3A_4, %dot_general3A {dimension_numbers = #tpu.dot_dimension_numbers<[1], [0], [0], [1], [0, 0, 1, 1], [], []>, transpose_lhs_hint = false} : vector<2048x768xf32>, vector<768x8xf32>, vector<2048x8xf32> -> vector<2048x8xf32>
    %get3A_6 = arith.constant 0 : index
    %get3A_7 = arith.constant 0 : index
    %get3A_8 = vector.load %arg2[%get3A_6, %get3A_7] : memref<1x8xf32, #tpu.memory_space<vmem>>, vector<1x8xf32>
    %add3A = vector.broadcast %get3A_8 : vector<1x8xf32> to vector<2048x8xf32>
    %add3A_9 = arith.addf %dot_general3A_5, %add3A : vector<2048x8xf32>
    %reduce_max3A = arith.constant dense<0xFF800000> : vector<2048xf32>
    %reduce_max3A_10 = vector.multi_reduction <maximumf>, %add3A_9, %reduce_max3A [1] : vector<2048x8xf32> to vector<2048xf32>
    %broadcast_in_dim3A = vector.shape_cast %reduce_max3A_10 : vector<2048xf32> to vector<2048x1xf32>
    %sub3A = vector.broadcast %broadcast_in_dim3A : vector<2048x1xf32> to vector<2048x8xf32>
    %sub3A_11 = arith.subf %add3A_9, %sub3A : vector<2048x8xf32>
    %exp3A = math.exp %sub3A_11 : vector<2048x8xf32>
    %reduce_sum3A = arith.constant dense<0.000000e+00> : vector<2048xf32>
    %reduce_sum3A_12 = vector.multi_reduction <add>, %exp3A, %reduce_sum3A [1] : vector<2048x8xf32> to vector<2048xf32>
    %broadcast_in_dim3A_13 = vector.shape_cast %reduce_sum3A_12 : vector<2048xf32> to vector<2048x1xf32>
    %div3A = vector.broadcast %broadcast_in_dim3A_13 : vector<2048x1xf32> to vector<2048x8xf32>
    %div3A_14 = arith.divf %exp3A, %div3A : vector<2048x8xf32>
    %iota3A = tpu.iota {dimensions = array<i32: 1>} : vector<2048x8xi32>
    %reduce_max3A_15 = arith.constant dense<0xFF800000> : vector<2048xf32>
    %reduce_max3A_16 = vector.multi_reduction <maximumf>, %div3A_14, %reduce_max3A_15 [1] : vector<2048x8xf32> to vector<2048xf32>
    %broadcast_in_dim3A_17 = vector.shape_cast %reduce_max3A_16 : vector<2048xf32> to vector<2048x1xf32>
    %eq3A = vector.broadcast %broadcast_in_dim3A_17 : vector<2048x1xf32> to vector<2048x8xf32>
    %eq3A_18 = arith.cmpf oeq, %div3A_14, %eq3A : vector<2048x8xf32>
    %jit3A = arith.constant 8 : i32
    %broadcast_in_dim3A_19 = vector.broadcast %jit3A : i32 to vector<2048x8xi32>
    %select_n3A = arith.select %eq3A_18, %iota3A, %broadcast_in_dim3A_19 : vector<2048x8xi1>, vector<2048x8xi32>
    %reduce_min3A = arith.constant dense<2147483647> : vector<2048xi32>
    %reduce_min3A_20 = vector.multi_reduction <minsi>, %select_n3A, %reduce_min3A [1] : vector<2048x8xi32> to vector<2048xi32>
    %broadcast_in_dim3A_21 = vector.shape_cast %reduce_min3A_20 : vector<2048xi32> to vector<2048x1xi32>
    %eq3A_22 = vector.broadcast %broadcast_in_dim3A_21 : vector<2048x1xi32> to vector<2048x8xi32>
    %eq3A_23 = arith.cmpi eq, %iota3A, %eq3A_22 : vector<2048x8xi32>
    %jit3A_24 = arith.constant -1.000000e+00 : f32
    %broadcast_in_dim3A_25 = vector.broadcast %jit3A_24 : f32 to vector<2048x8xf32>
    %select_n3A_26 = arith.select %eq3A_23, %broadcast_in_dim3A_25, %div3A_14 : vector<2048x8xi1>, vector<2048x8xf32>
    %reduce_max3A_27 = arith.constant dense<0xFF800000> : vector<2048xf32>
    %reduce_max3A_28 = vector.multi_reduction <maximumf>, %select_n3A_26, %reduce_max3A_27 [1] : vector<2048x8xf32> to vector<2048xf32>
    %broadcast_in_dim3A_29 = vector.shape_cast %reduce_max3A_28 : vector<2048xf32> to vector<2048x1xf32>
    %eq3A_30 = vector.broadcast %broadcast_in_dim3A_29 : vector<2048x1xf32> to vector<2048x8xf32>
    %eq3A_31 = arith.cmpf oeq, %select_n3A_26, %eq3A_30 : vector<2048x8xf32>
    %jit3A_32 = arith.constant 8 : i32
    %broadcast_in_dim3A_33 = vector.broadcast %jit3A_32 : i32 to vector<2048x8xi32>
    %select_n3A_34 = arith.select %eq3A_31, %iota3A, %broadcast_in_dim3A_33 : vector<2048x8xi1>, vector<2048x8xi32>
    %reduce_min3A_35 = arith.constant dense<2147483647> : vector<2048xi32>
    %reduce_min3A_36 = vector.multi_reduction <minsi>, %select_n3A_34, %reduce_min3A_35 [1] : vector<2048x8xi32> to vector<2048xi32>
    %broadcast_in_dim3A_37 = vector.shape_cast %reduce_min3A_36 : vector<2048xi32> to vector<2048x1xi32>
    %eq3A_38 = vector.broadcast %broadcast_in_dim3A_37 : vector<2048x1xi32> to vector<2048x8xi32>
    %eq3A_39 = arith.cmpi eq, %iota3A, %eq3A_38 : vector<2048x8xi32>
    %jit3A_40 = arith.constant 0.000000e+00 : f32
    %broadcast_in_dim3A_41 = vector.broadcast %jit3A_40 : f32 to vector<2048x8xf32>
    %select_n3A_42 = arith.select %eq3A_23, %div3A_14, %broadcast_in_dim3A_41 : vector<2048x8xi1>, vector<2048x8xf32>
    %reduce_sum3A_43 = arith.constant dense<0.000000e+00> : vector<2048xf32>
    %reduce_sum3A_44 = vector.multi_reduction <add>, %select_n3A_42, %reduce_sum3A_43 [1] : vector<2048x8xf32> to vector<2048xf32>
    %broadcast_in_dim3A_45 = vector.shape_cast %reduce_sum3A_44 : vector<2048xf32> to vector<2048x1xf32>
    %swap3A = arith.constant 0 : index
    %swap3A_46 = arith.constant 0 : index
    %swap3A_47 = vector.load %arg5[%swap3A, %swap3A_46] : memref<2048x1xf32, #tpu.memory_space<vmem>>, vector<2048x1xf32>
    tpu.vector_store %arg5[%swap3A, %swap3A_46], %broadcast_in_dim3A_45 {strides = array<i32>} : memref<2048x1xf32, #tpu.memory_space<vmem>>, vector<2048x1xf32>,
    %jit3A_48 = arith.constant 0.000000e+00 : f32
    %broadcast_in_dim3A_49 = vector.broadcast %jit3A_48 : f32 to vector<2048x8xf32>
    %select_n3A_50 = arith.select %eq3A_39, %div3A_14, %broadcast_in_dim3A_49 : vector<2048x8xi1>, vector<2048x8xf32>
    %reduce_sum3A_51 = arith.constant dense<0.000000e+00> : vector<2048xf32>
    %reduce_sum3A_52 = vector.multi_reduction <add>, %select_n3A_50, %reduce_sum3A_51 [1] : vector<2048x8xf32> to vector<2048xf32>
    %broadcast_in_dim3A_53 = vector.shape_cast %reduce_sum3A_52 : vector<2048xf32> to vector<2048x1xf32>
    %swap3A_54 = arith.constant 0 : index
    %swap3A_55 = arith.constant 0 : index
    %swap3A_56 = vector.load %arg6[%swap3A_54, %swap3A_55] : memref<2048x1xf32, #tpu.memory_space<vmem>>, vector<2048x1xf32>
    tpu.vector_store %arg6[%swap3A_54, %swap3A_55], %broadcast_in_dim3A_53 {strides = array<i32>} : memref<2048x1xf32, #tpu.memory_space<vmem>>, vector<2048x1xf32>,
    %convert_element_type3A = arith.extui %eq3A_23 : vector<2048x8xi1> to vector<2048x8xi32>
    %convert_element_type3A_57 = arith.extui %eq3A_39 : vector<2048x8xi1> to vector<2048x8xi32>
    %add3A_58 = arith.addi %convert_element_type3A, %convert_element_type3A_57 : vector<2048x8xi32>
    %broadcast_in_dim3A_59 = arith.constant 0 : i32
    %broadcast_in_dim3A_60 = vector.broadcast %broadcast_in_dim3A_59 : i32 to vector<1x8xi32>
    %slice3A = vector.extract_strided_slice %add3A_58 {offsets = [0, 0], sizes = [2047, 8], strides = [1, 1]} : vector<2048x8xi32> to vector<2047x8xi32>
    %concatenate3A = tpu.concatenate %broadcast_in_dim3A_60, %slice3A in 0 : vector<1x8xi32>, vector<2047x8xi32> -> vector<2048x8xi32>
    %add3A_61 = arith.addi %add3A_58, %concatenate3A : vector<2048x8xi32>
    %broadcast_in_dim3A_62 = arith.constant 0 : i32
    %broadcast_in_dim3A_63 = vector.broadcast %broadcast_in_dim3A_62 : i32 to vector<2x8xi32>
    %slice3A_64 = vector.extract_strided_slice %add3A_61 {offsets = [0, 0], sizes = [2046, 8], strides = [1, 1]} : vector<2048x8xi32> to vector<2046x8xi32>
    %concatenate3A_65 = tpu.concatenate %broadcast_in_dim3A_63, %slice3A_64 in 0 : vector<2x8xi32>, vector<2046x8xi32> -> vector<2048x8xi32>
    %add3A_66 = arith.addi %add3A_61, %concatenate3A_65 : vector<2048x8xi32>
    %broadcast_in_dim3A_67 = arith.constant 0 : i32
    %broadcast_in_dim3A_68 = vector.broadcast %broadcast_in_dim3A_67 : i32 to vector<4x8xi32>
    %slice3A_69 = vector.extract_strided_slice %add3A_66 {offsets = [0, 0], sizes = [2044, 8], strides = [1, 1]} : vector<2048x8xi32> to vector<2044x8xi32>
    %concatenate3A_70 = tpu.concatenate %broadcast_in_dim3A_68, %slice3A_69 in 0 : vector<4x8xi32>, vector<2044x8xi32> -> vector<2048x8xi32>
    %add3A_71 = arith.addi %add3A_66, %concatenate3A_70 : vector<2048x8xi32>
    %broadcast_in_dim3A_72 = arith.constant 0 : i32
    %broadcast_in_dim3A_73 = vector.broadcast %broadcast_in_dim3A_72 : i32 to vector<8x8xi32>
    %slice3A_74 = vector.extract_strided_slice %add3A_71 {offsets = [0, 0], sizes = [2040, 8], strides = [1, 1]} : vector<2048x8xi32> to vector<2040x8xi32>
    %concatenate3A_75 = tpu.concatenate %broadcast_in_dim3A_73, %slice3A_74 in 0 : vector<8x8xi32>, vector<2040x8xi32> -> vector<2048x8xi32>
    %add3A_76 = arith.addi %add3A_71, %concatenate3A_75 : vector<2048x8xi32>
    %broadcast_in_dim3A_77 = arith.constant 0 : i32
    %broadcast_in_dim3A_78 = vector.broadcast %broadcast_in_dim3A_77 : i32 to vector<16x8xi32>
    %slice3A_79 = vector.extract_strided_slice %add3A_76 {offsets = [0, 0], sizes = [2032, 8], strides = [1, 1]} : vector<2048x8xi32> to vector<2032x8xi32>
    %concatenate3A_80 = tpu.concatenate %broadcast_in_dim3A_78, %slice3A_79 in 0 : vector<16x8xi32>, vector<2032x8xi32> -> vector<2048x8xi32>
    %add3A_81 = arith.addi %add3A_76, %concatenate3A_80 : vector<2048x8xi32>
    %broadcast_in_dim3A_82 = arith.constant 0 : i32
    %broadcast_in_dim3A_83 = vector.broadcast %broadcast_in_dim3A_82 : i32 to vector<32x8xi32>
    %slice3A_84 = vector.extract_strided_slice %add3A_81 {offsets = [0, 0], sizes = [2016, 8], strides = [1, 1]} : vector<2048x8xi32> to vector<2016x8xi32>
    %concatenate3A_85 = tpu.concatenate %broadcast_in_dim3A_83, %slice3A_84 in 0 : vector<32x8xi32>, vector<2016x8xi32> -> vector<2048x8xi32>
    %add3A_86 = arith.addi %add3A_81, %concatenate3A_85 : vector<2048x8xi32>
    %broadcast_in_dim3A_87 = arith.constant 0 : i32
    %broadcast_in_dim3A_88 = vector.broadcast %broadcast_in_dim3A_87 : i32 to vector<64x8xi32>
    %slice3A_89 = vector.extract_strided_slice %add3A_86 {offsets = [0, 0], sizes = [1984, 8], strides = [1, 1]} : vector<2048x8xi32> to vector<1984x8xi32>
    %concatenate3A_90 = tpu.concatenate %broadcast_in_dim3A_88, %slice3A_89 in 0 : vector<64x8xi32>, vector<1984x8xi32> -> vector<2048x8xi32>
    %add3A_91 = arith.addi %add3A_86, %concatenate3A_90 : vector<2048x8xi32>
    %broadcast_in_dim3A_92 = arith.constant 0 : i32
    %broadcast_in_dim3A_93 = vector.broadcast %broadcast_in_dim3A_92 : i32 to vector<128x8xi32>
    %slice3A_94 = vector.extract_strided_slice %add3A_91 {offsets = [0, 0], sizes = [1920, 8], strides = [1, 1]} : vector<2048x8xi32> to vector<1920x8xi32>
    %concatenate3A_95 = tpu.concatenate %broadcast_in_dim3A_93, %slice3A_94 in 0 : vector<128x8xi32>, vector<1920x8xi32> -> vector<2048x8xi32>
    %add3A_96 = arith.addi %add3A_91, %concatenate3A_95 : vector<2048x8xi32>
    %broadcast_in_dim3A_97 = arith.constant 0 : i32
    %broadcast_in_dim3A_98 = vector.broadcast %broadcast_in_dim3A_97 : i32 to vector<256x8xi32>
    %slice3A_99 = vector.extract_strided_slice %add3A_96 {offsets = [0, 0], sizes = [1792, 8], strides = [1, 1]} : vector<2048x8xi32> to vector<1792x8xi32>
    %concatenate3A_100 = tpu.concatenate %broadcast_in_dim3A_98, %slice3A_99 in 0 : vector<256x8xi32>, vector<1792x8xi32> -> vector<2048x8xi32>
    %add3A_101 = arith.addi %add3A_96, %concatenate3A_100 : vector<2048x8xi32>
    %broadcast_in_dim3A_102 = arith.constant 0 : i32
    %broadcast_in_dim3A_103 = vector.broadcast %broadcast_in_dim3A_102 : i32 to vector<512x8xi32>
    %slice3A_104 = vector.extract_strided_slice %add3A_101 {offsets = [0, 0], sizes = [1536, 8], strides = [1, 1]} : vector<2048x8xi32> to vector<1536x8xi32>
    %concatenate3A_105 = tpu.concatenate %broadcast_in_dim3A_103, %slice3A_104 in 0 : vector<512x8xi32>, vector<1536x8xi32> -> vector<2048x8xi32>
    %add3A_106 = arith.addi %add3A_101, %concatenate3A_105 : vector<2048x8xi32>
    %broadcast_in_dim3A_107 = arith.constant 0 : i32
    %broadcast_in_dim3A_108 = vector.broadcast %broadcast_in_dim3A_107 : i32 to vector<1024x8xi32>
    %slice3A_109 = vector.extract_strided_slice %add3A_106 {offsets = [0, 0], sizes = [1024, 8], strides = [1, 1]} : vector<2048x8xi32> to vector<1024x8xi32>
    %concatenate3A_110 = tpu.concatenate %broadcast_in_dim3A_108, %slice3A_109 in 0 : vector<1024x8xi32>, vector<1024x8xi32> -> vector<2048x8xi32>
    %add3A_111 = arith.addi %add3A_106, %concatenate3A_110 : vector<2048x8xi32>
    %sub3A_112 = arith.subi %add3A_111, %add3A_58 : vector<2048x8xi32>
    %slice3A_113 = vector.extract_strided_slice %add3A_111 {offsets = [2047, 0], sizes = [1, 8], strides = [1, 1]} : vector<2048x8xi32> to vector<1x8xi32>
    %add3A_114 = arith.constant 127 : i32
    %add3A_115 = vector.broadcast %add3A_114 : i32 to vector<1x8xi32>
    %add3A_116 = arith.addi %slice3A_113, %add3A_115 : vector<1x8xi32>
    %jit3A_117 = arith.constant 128 : i32
    %div3A_118 = vector.broadcast %jit3A_117 : i32 to vector<1x8xi32>
    %div3A_119 = arith.divsi %add3A_116, %div3A_118 : vector<1x8xi32>
    %sign3A = arith.constant 0 : i32
    %sign3A_120 = vector.broadcast %sign3A : i32 to vector<1x8xi32>
    %sign3A_121 = arith.cmpi sgt, %add3A_116, %sign3A_120 : vector<1x8xi32>
    %sign3A_122 = arith.extui %sign3A_121 : vector<1x8xi1> to vector<1x8xi32>
    %sign3A_123 = arith.constant 0 : i32
    %sign3A_124 = vector.broadcast %sign3A_123 : i32 to vector<1x8xi32>
    %sign3A_125 = arith.cmpi slt, %add3A_116, %sign3A_124 : vector<1x8xi32>
    %sign3A_126 = arith.extui %sign3A_125 : vector<1x8xi1> to vector<1x8xi32>
    %sign3A_127 = arith.subi %sign3A_122, %sign3A_126 : vector<1x8xi32>
    %sign3A_128 = arith.constant 0 : i32
    %sign3A_129 = arith.cmpi sgt, %jit3A_117, %sign3A_128 : i32
    %sign3A_130 = arith.extui %sign3A_129 : i1 to i32
    %sign3A_131 = arith.constant 0 : i32
    %sign3A_132 = arith.cmpi slt, %jit3A_117, %sign3A_131 : i32
    %sign3A_133 = arith.extui %sign3A_132 : i1 to i32
    %sign3A_134 = arith.subi %sign3A_130, %sign3A_133 : i32
    %ne3A = vector.broadcast %sign3A_134 : i32 to vector<1x8xi32>
    %ne3A_135 = arith.cmpi ne, %sign3A_127, %ne3A : vector<1x8xi32>
    %rem3A = vector.broadcast %jit3A_117 : i32 to vector<1x8xi32>
    %rem3A_136 = arith.remsi %add3A_116, %rem3A : vector<1x8xi32>
    %ne3A_137 = arith.constant 0 : i32
    %ne3A_138 = vector.broadcast %ne3A_137 : i32 to vector<1x8xi32>
    %ne3A_139 = arith.cmpi ne, %rem3A_136, %ne3A_138 : vector<1x8xi32>
    %and3A = arith.andi %ne3A_135, %ne3A_139 : vector<1x8xi1>
    %sub3A_140 = arith.constant 1 : i32
    %sub3A_141 = vector.broadcast %sub3A_140 : i32 to vector<1x8xi32>
    %sub3A_142 = arith.subi %div3A_119, %sub3A_141 : vector<1x8xi32>
    %select_n3A_143 = arith.select %and3A, %sub3A_142, %div3A_119 : vector<1x8xi1>, vector<1x8xi32>
    %mul3A = arith.constant 128 : i32
    %mul3A_144 = vector.broadcast %mul3A : i32 to vector<1x8xi32>
    %mul3A_145 = arith.muli %select_n3A_143, %mul3A_144 : vector<1x8xi32>
    %broadcast_in_dim3A_146 = arith.constant 0 : i32
    %broadcast_in_dim3A_147 = vector.broadcast %broadcast_in_dim3A_146 : i32 to vector<1x1xi32>
    %slice3A_148 = vector.extract_strided_slice %mul3A_145 {offsets = [0, 0], sizes = [1, 7], strides = [1, 1]} : vector<1x8xi32> to vector<1x7xi32>
    %concatenate3A_149 = tpu.concatenate %broadcast_in_dim3A_147, %slice3A_148 in 1 : vector<1x1xi32>, vector<1x7xi32> -> vector<1x8xi32>
    %add3A_150 = arith.addi %mul3A_145, %concatenate3A_149 : vector<1x8xi32>
    %broadcast_in_dim3A_151 = arith.constant 0 : i32
    %broadcast_in_dim3A_152 = vector.broadcast %broadcast_in_dim3A_151 : i32 to vector<1x2xi32>
    %slice3A_153 = vector.extract_strided_slice %add3A_150 {offsets = [0, 0], sizes = [1, 6], strides = [1, 1]} : vector<1x8xi32> to vector<1x6xi32>
    %concatenate3A_154 = tpu.concatenate %broadcast_in_dim3A_152, %slice3A_153 in 1 : vector<1x2xi32>, vector<1x6xi32> -> vector<1x8xi32>
    %add3A_155 = arith.addi %add3A_150, %concatenate3A_154 : vector<1x8xi32>
    %broadcast_in_dim3A_156 = arith.constant 0 : i32
    %broadcast_in_dim3A_157 = vector.broadcast %broadcast_in_dim3A_156 : i32 to vector<1x4xi32>
    %slice3A_158 = vector.extract_strided_slice %add3A_155 {offsets = [0, 0], sizes = [1, 4], strides = [1, 1]} : vector<1x8xi32> to vector<1x4xi32>
    %concatenate3A_159 = tpu.concatenate %broadcast_in_dim3A_157, %slice3A_158 in 1 : vector<1x4xi32>, vector<1x4xi32> -> vector<1x8xi32>
    %add3A_160 = arith.addi %add3A_155, %concatenate3A_159 : vector<1x8xi32>
    %sub3A_161 = arith.subi %add3A_160, %mul3A_145 : vector<1x8xi32>
    %jit3A_162 = arith.constant 0 : i32
    %broadcast_in_dim3A_163 = vector.broadcast %jit3A_162 : i32 to vector<2048x8xi32>
    %select_n3A_164 = arith.select %eq3A_23, %sub3A_112, %broadcast_in_dim3A_163 : vector<2048x8xi1>, vector<2048x8xi32>
    %reduce_sum3A_165 = arith.constant dense<0> : vector<2048xi32>
    %reduce_sum3A_166 = vector.multi_reduction <add>, %select_n3A_164, %reduce_sum3A_165 [1] : vector<2048x8xi32> to vector<2048xi32>
    %broadcast_in_dim3A_167 = vector.shape_cast %reduce_sum3A_166 : vector<2048xi32> to vector<2048x1xi32>
    %jit3A_168 = arith.constant 0 : i32
    %broadcast_in_dim3A_169 = vector.broadcast %jit3A_168 : i32 to vector<2048x8xi32>
    %select_n3A_170 = arith.select %eq3A_39, %sub3A_112, %broadcast_in_dim3A_169 : vector<2048x8xi1>, vector<2048x8xi32>
    %reduce_sum3A_171 = arith.constant dense<0> : vector<2048xi32>
    %reduce_sum3A_172 = vector.multi_reduction <add>, %select_n3A_170, %reduce_sum3A_171 [1] : vector<2048x8xi32> to vector<2048xi32>
    %broadcast_in_dim3A_173 = vector.shape_cast %reduce_sum3A_172 : vector<2048xi32> to vector<2048x1xi32>
    %jit3A_174 = arith.constant 0 : i32
    %broadcast_in_dim3A_175 = vector.shape_cast %sub3A_161 : vector<1x8xi32> to vector<1x8xi32>
    %broadcast_in_dim3A_176 = vector.broadcast %broadcast_in_dim3A_175 : vector<1x8xi32> to vector<2048x8xi32>
    %broadcast_in_dim3A_177 = vector.broadcast %jit3A_174 : i32 to vector<2048x8xi32>
    %select_n3A_178 = arith.select %eq3A_23, %broadcast_in_dim3A_176, %broadcast_in_dim3A_177 : vector<2048x8xi1>, vector<2048x8xi32>
    %reduce_sum3A_179 = arith.constant dense<0> : vector<2048xi32>
    %reduce_sum3A_180 = vector.multi_reduction <add>, %select_n3A_178, %reduce_sum3A_179 [1] : vector<2048x8xi32> to vector<2048xi32>
    %broadcast_in_dim3A_181 = vector.shape_cast %reduce_sum3A_180 : vector<2048xi32> to vector<2048x1xi32>
    %jit3A_182 = arith.constant 0 : i32
    %broadcast_in_dim3A_183 = vector.shape_cast %sub3A_161 : vector<1x8xi32> to vector<1x8xi32>
    %broadcast_in_dim3A_184 = vector.broadcast %broadcast_in_dim3A_183 : vector<1x8xi32> to vector<2048x8xi32>
    %broadcast_in_dim3A_185 = vector.broadcast %jit3A_182 : i32 to vector<2048x8xi32>
    %select_n3A_186 = arith.select %eq3A_39, %broadcast_in_dim3A_184, %broadcast_in_dim3A_185 : vector<2048x8xi1>, vector<2048x8xi32>
    %reduce_sum3A_187 = arith.constant dense<0> : vector<2048xi32>
    %reduce_sum3A_188 = vector.multi_reduction <add>, %select_n3A_186, %reduce_sum3A_187 [1] : vector<2048x8xi32> to vector<2048xi32>
    %broadcast_in_dim3A_189 = vector.shape_cast %reduce_sum3A_188 : vector<2048xi32> to vector<2048x1xi32>
    %add3A_190 = arith.addi %broadcast_in_dim3A_181, %broadcast_in_dim3A_167 : vector<2048x1xi32>
    %swap3A_191 = arith.constant 0 : index
    %swap3A_192 = arith.constant 0 : index
    %swap3A_193 = vector.load %arg3[%swap3A_191, %swap3A_192] : memref<2048x1xi32, #tpu.memory_space<vmem>>, vector<2048x1xi32>
    tpu.vector_store %arg3[%swap3A_191, %swap3A_192], %add3A_190 {strides = array<i32>} : memref<2048x1xi32, #tpu.memory_space<vmem>>, vector<2048x1xi32>,
    %add3A_194 = arith.addi %broadcast_in_dim3A_189, %broadcast_in_dim3A_173 : vector<2048x1xi32>
    %swap3A_195 = arith.constant 0 : index
    %swap3A_196 = arith.constant 0 : index
    %swap3A_197 = vector.load %arg4[%swap3A_195, %swap3A_196] : memref<2048x1xi32, #tpu.memory_space<vmem>>, vector<2048x1xi32>
    tpu.vector_store %arg4[%swap3A_195, %swap3A_196], %add3A_194 {strides = array<i32>} : memref<2048x1xi32, #tpu.memory_space<vmem>>, vector<2048x1xi32>,
    %iota3A_198 = tpu.iota {dimensions = array<i32: 1>} : vector<1x40xi32>
    %mul3A_199 = arith.constant 128 : i32
    %mul3A_200 = vector.broadcast %mul3A_199 : i32 to vector<1x40xi32>
    %mul3A_201 = arith.muli %iota3A_198, %mul3A_200 : vector<1x40xi32>
    %broadcast_in_dim3A_202 = arith.constant 0 : i32
    %broadcast_in_dim3A_203 = vector.broadcast %broadcast_in_dim3A_202 : i32 to vector<1x40xi32>
    %slice3A_204 = vector.extract_strided_slice %add3A_160 {offsets = [0, 0], sizes = [1, 1], strides = [1, 1]} : vector<1x8xi32> to vector<1x1xi32>
    %ge3A = vector.broadcast %slice3A_204 : vector<1x1xi32> to vector<1x40xi32>
    %ge3A_205 = arith.cmpi sge, %mul3A_201, %ge3A : vector<1x40xi32>
    %convert_element_type3A_206 = arith.extui %ge3A_205 : vector<1x40xi1> to vector<1x40xi32>
    %add3A_207 = arith.addi %broadcast_in_dim3A_203, %convert_element_type3A_206 : vector<1x40xi32>
    %slice3A_208 = vector.extract_strided_slice %add3A_160 {offsets = [0, 1], sizes = [1, 1], strides = [1, 1]} : vector<1x8xi32> to vector<1x1xi32>
    %ge3A_209 = vector.broadcast %slice3A_208 : vector<1x1xi32> to vector<1x40xi32>
    %ge3A_210 = arith.cmpi sge, %mul3A_201, %ge3A_209 : vector<1x40xi32>
    %convert_element_type3A_211 = arith.extui %ge3A_210 : vector<1x40xi1> to vector<1x40xi32>
    %add3A_212 = arith.addi %add3A_207, %convert_element_type3A_211 : vector<1x40xi32>
    %slice3A_213 = vector.extract_strided_slice %add3A_160 {offsets = [0, 2], sizes = [1, 1], strides = [1, 1]} : vector<1x8xi32> to vector<1x1xi32>
    %ge3A_214 = vector.broadcast %slice3A_213 : vector<1x1xi32> to vector<1x40xi32>
    %ge3A_215 = arith.cmpi sge, %mul3A_201, %ge3A_214 : vector<1x40xi32>
    %convert_element_type3A_216 = arith.extui %ge3A_215 : vector<1x40xi1> to vector<1x40xi32>
    %add3A_217 = arith.addi %add3A_212, %convert_element_type3A_216 : vector<1x40xi32>
    %slice3A_218 = vector.extract_strided_slice %add3A_160 {offsets = [0, 3], sizes = [1, 1], strides = [1, 1]} : vector<1x8xi32> to vector<1x1xi32>
    %ge3A_219 = vector.broadcast %slice3A_218 : vector<1x1xi32> to vector<1x40xi32>
    %ge3A_220 = arith.cmpi sge, %mul3A_201, %ge3A_219 : vector<1x40xi32>
    %convert_element_type3A_221 = arith.extui %ge3A_220 : vector<1x40xi1> to vector<1x40xi32>
    %add3A_222 = arith.addi %add3A_217, %convert_element_type3A_221 : vector<1x40xi32>
    %slice3A_223 = vector.extract_strided_slice %add3A_160 {offsets = [0, 4], sizes = [1, 1], strides = [1, 1]} : vector<1x8xi32> to vector<1x1xi32>
    %ge3A_224 = vector.broadcast %slice3A_223 : vector<1x1xi32> to vector<1x40xi32>
    %ge3A_225 = arith.cmpi sge, %mul3A_201, %ge3A_224 : vector<1x40xi32>
    %convert_element_type3A_226 = arith.extui %ge3A_225 : vector<1x40xi1> to vector<1x40xi32>
    %add3A_227 = arith.addi %add3A_222, %convert_element_type3A_226 : vector<1x40xi32>
    %slice3A_228 = vector.extract_strided_slice %add3A_160 {offsets = [0, 5], sizes = [1, 1], strides = [1, 1]} : vector<1x8xi32> to vector<1x1xi32>
    %ge3A_229 = vector.broadcast %slice3A_228 : vector<1x1xi32> to vector<1x40xi32>
    %ge3A_230 = arith.cmpi sge, %mul3A_201, %ge3A_229 : vector<1x40xi32>
    %convert_element_type3A_231 = arith.extui %ge3A_230 : vector<1x40xi1> to vector<1x40xi32>
    %add3A_232 = arith.addi %add3A_227, %convert_element_type3A_231 : vector<1x40xi32>
    %slice3A_233 = vector.extract_strided_slice %add3A_160 {offsets = [0, 6], sizes = [1, 1], strides = [1, 1]} : vector<1x8xi32> to vector<1x1xi32>
    %ge3A_234 = vector.broadcast %slice3A_233 : vector<1x1xi32> to vector<1x40xi32>
    %ge3A_235 = arith.cmpi sge, %mul3A_201, %ge3A_234 : vector<1x40xi32>
    %convert_element_type3A_236 = arith.extui %ge3A_235 : vector<1x40xi1> to vector<1x40xi32>
    %add3A_237 = arith.addi %add3A_232, %convert_element_type3A_236 : vector<1x40xi32>
    %slice3A_238 = vector.extract_strided_slice %add3A_160 {offsets = [0, 7], sizes = [1, 1], strides = [1, 1]} : vector<1x8xi32> to vector<1x1xi32>
    %ge3A_239 = vector.broadcast %slice3A_238 : vector<1x1xi32> to vector<1x40xi32>
    %ge3A_240 = arith.cmpi sge, %mul3A_201, %ge3A_239 : vector<1x40xi32>
    %convert_element_type3A_241 = arith.extui %ge3A_240 : vector<1x40xi1> to vector<1x40xi32>
    %add3A_242 = arith.addi %add3A_237, %convert_element_type3A_241 : vector<1x40xi32>
    %min3A = arith.constant 7 : i32
    %min3A_243 = vector.broadcast %min3A : i32 to vector<1x40xi32>
    %min3A_244 = arith.minsi %add3A_242, %min3A_243 : vector<1x40xi32>
    %swap3A_245 = arith.constant 0 : index
    %swap3A_246 = arith.constant 0 : index
    %swap3A_247 = vector.load %arg7[%swap3A_245, %swap3A_246] : memref<1x40xi32, #tpu.memory_space<vmem>>, vector<1x40xi32>
    tpu.vector_store %arg7[%swap3A_245, %swap3A_246], %min3A_244 {strides = array<i32>} : memref<1x40xi32, #tpu.memory_space<vmem>>, vector<1x40xi32>,
    return
  }
}

module attributes {stable_mosaic.version = 14 : i64} {
  func.func @_moe_body(%arg0: i32, %arg1: memref<40xi32, #tpu.memory_space<smem>>, %arg2: memref<128x768xf32, #tpu.memory_space<vmem>>, %arg3: memref<1x768x3072xbf16, #tpu.memory_space<vmem>>, %arg4: memref<1x1x3072xf32, #tpu.memory_space<vmem>>, %arg5: memref<1x3072x768xbf16, #tpu.memory_space<vmem>>, %arg6: memref<1x1x768xf32, #tpu.memory_space<vmem>>, %arg7: memref<128x1xf32, #tpu.memory_space<vmem>>, %arg8: memref<128x768xf32, #tpu.memory_space<vmem>>) attributes {dimension_semantics = [#tpu.dimension_semantics<arbitrary>], iteration_bounds = array<i64: 40>, scalar_prefetch = 1 : i64, scratch_operands = 0 : i64, tpu.core_type = #tpu.core_type<tc>, window_params = [{transform_indices = @transform_0, window_bounds = array<i64: 128, 768>}, {transform_indices = @transform_1, window_bounds = array<i64: 1, 768, 3072>}, {transform_indices = @transform_2, window_bounds = array<i64: 1, 1, 3072>}, {transform_indices = @transform_3, window_bounds = array<i64: 1, 3072, 768>}, {transform_indices = @transform_4, window_bounds = array<i64: 1, 1, 768>}, {transform_indices = @transform_5, window_bounds = array<i64: 128, 1>}, {transform_indices = @transform_6, window_bounds = array<i64: 128, 768>}]} {
    %get3A = arith.constant 0 : index
    %get3A_0 = arith.constant 0 : index
    %get3A_1 = vector.load %arg2[%get3A, %get3A_0] : memref<128x768xf32, #tpu.memory_space<vmem>>, vector<128x768xf32>
    %convert_element_type3A = arith.truncf %get3A_1 : vector<128x768xf32> to vector<128x768xbf16>
    %get3A_2 = arith.constant 0 : index
    %get3A_3 = arith.constant 0 : index
    %get3A_4 = arith.constant 0 : index
    %get3A_5 = vector.load %arg3[%get3A_2, %get3A_3, %get3A_4] : memref<1x768x3072xbf16, #tpu.memory_space<vmem>>, vector<1x768x3072xbf16>
    %get3A_6 = vector.shape_cast %get3A_5 : vector<1x768x3072xbf16> to vector<768x3072xbf16>
    %dot_general3A = arith.constant dense<0.000000e+00> : vector<128x3072xf32>
    %dot_general3A_7 = tpu.matmul %convert_element_type3A, %get3A_6, %dot_general3A {dimension_numbers = #tpu.dot_dimension_numbers<[1], [0], [0], [1], [0, 0, 1, 1], [], []>, transpose_lhs_hint = false} : vector<128x768xbf16>, vector<768x3072xbf16>, vector<128x3072xf32> -> vector<128x3072xf32>
    %get3A_8 = arith.constant 0 : index
    %get3A_9 = arith.constant 0 : index
    %get3A_10 = arith.constant 0 : index
    %get3A_11 = vector.load %arg4[%get3A_8, %get3A_9, %get3A_10] : memref<1x1x3072xf32, #tpu.memory_space<vmem>>, vector<1x1x3072xf32>
    %get3A_12 = vector.shape_cast %get3A_11 : vector<1x1x3072xf32> to vector<1x3072xf32>
    %add3A = vector.broadcast %get3A_12 : vector<1x3072xf32> to vector<128x3072xf32>
    %add3A_13 = arith.addf %dot_general3A_7, %add3A : vector<128x3072xf32>
    %mul3A = arith.constant 5.000000e-01 : f32
    %mul3A_14 = vector.broadcast %mul3A : f32 to vector<128x3072xf32>
    %mul3A_15 = arith.mulf %mul3A_14, %add3A_13 : vector<128x3072xf32>
    %sqrt3A = arith.constant 0.636619746 : f32
    %sqrt3A_16 = math.sqrt %sqrt3A : f32
    %integer_pow3A = arith.mulf %add3A_13, %add3A_13 : vector<128x3072xf32>
    %integer_pow3A_17 = arith.mulf %add3A_13, %integer_pow3A : vector<128x3072xf32>
    %mul3A_18 = arith.constant 4.471500e-02 : f32
    %mul3A_19 = vector.broadcast %mul3A_18 : f32 to vector<128x3072xf32>
    %mul3A_20 = arith.mulf %mul3A_19, %integer_pow3A_17 : vector<128x3072xf32>
    %add3A_21 = arith.addf %add3A_13, %mul3A_20 : vector<128x3072xf32>
    %mul3A_22 = vector.broadcast %sqrt3A_16 : f32 to vector<128x3072xf32>
    %mul3A_23 = arith.mulf %mul3A_22, %add3A_21 : vector<128x3072xf32>
    %tanh3A = math.tanh %mul3A_23 : vector<128x3072xf32>
    %add3A_24 = arith.constant 1.000000e+00 : f32
    %add3A_25 = vector.broadcast %add3A_24 : f32 to vector<128x3072xf32>
    %add3A_26 = arith.addf %add3A_25, %tanh3A : vector<128x3072xf32>
    %mul3A_27 = arith.mulf %mul3A_15, %add3A_26 : vector<128x3072xf32>
    %convert_element_type3A_28 = arith.truncf %mul3A_27 : vector<128x3072xf32> to vector<128x3072xbf16>
    %get3A_29 = arith.constant 0 : index
    %get3A_30 = arith.constant 0 : index
    %get3A_31 = arith.constant 0 : index
    %get3A_32 = vector.load %arg5[%get3A_29, %get3A_30, %get3A_31] : memref<1x3072x768xbf16, #tpu.memory_space<vmem>>, vector<1x3072x768xbf16>
    %get3A_33 = vector.shape_cast %get3A_32 : vector<1x3072x768xbf16> to vector<3072x768xbf16>
    %dot_general3A_34 = arith.constant dense<0.000000e+00> : vector<128x768xf32>
    %dot_general3A_35 = tpu.matmul %convert_element_type3A_28, %get3A_33, %dot_general3A_34 {dimension_numbers = #tpu.dot_dimension_numbers<[1], [0], [0], [1], [0, 0, 1, 1], [], []>, transpose_lhs_hint = false} : vector<128x3072xbf16>, vector<3072x768xbf16>, vector<128x768xf32> -> vector<128x768xf32>
    %get3A_36 = arith.constant 0 : index
    %get3A_37 = arith.constant 0 : index
    %get3A_38 = arith.constant 0 : index
    %get3A_39 = vector.load %arg6[%get3A_36, %get3A_37, %get3A_38] : memref<1x1x768xf32, #tpu.memory_space<vmem>>, vector<1x1x768xf32>
    %get3A_40 = vector.shape_cast %get3A_39 : vector<1x1x768xf32> to vector<1x768xf32>
    %add3A_41 = vector.broadcast %get3A_40 : vector<1x768xf32> to vector<128x768xf32>
    %add3A_42 = arith.addf %dot_general3A_35, %add3A_41 : vector<128x768xf32>
    %get3A_43 = arith.constant 0 : index
    %get3A_44 = arith.constant 0 : index
    %get3A_45 = vector.load %arg7[%get3A_43, %get3A_44] : memref<128x1xf32, #tpu.memory_space<vmem>>, vector<128x1xf32>
    %mul3A_46 = vector.broadcast %get3A_45 : vector<128x1xf32> to vector<128x768xf32>
    %mul3A_47 = arith.mulf %add3A_42, %mul3A_46 : vector<128x768xf32>
    %swap3A = arith.constant 0 : index
    %swap3A_48 = arith.constant 0 : index
    %swap3A_49 = vector.load %arg8[%swap3A, %swap3A_48] : memref<128x768xf32, #tpu.memory_space<vmem>>, vector<128x768xf32>
    tpu.vector_store %arg8[%swap3A, %swap3A_48], %mul3A_47 {strides = array<i32>} : memref<128x768xf32, #tpu.memory_space<vmem>>, vector<128x768xf32>,
    return
  }
  func.func @transform_0(%arg0: i32, %arg1: memref<40xi32, #tpu.memory_space<smem>>) -> (i32, i32) {
    %c0_i32 = arith.constant 0 : i32
    %c0_i32_0 = arith.constant 0 : i32
    return %arg0, %c0_i32 : i32, i32
  }
  func.func @transform_1(%arg0: i32, %arg1: memref<40xi32, #tpu.memory_space<smem>>) -> (i32, i32, i32) {
    %get3A = arith.index_cast %arg0 : i32 to index
    %get3A_0 = memref.load %arg1[%get3A] : memref<40xi32, #tpu.memory_space<smem>>
    %c0_i32 = arith.constant 0 : i32
    %c0_i32_1 = arith.constant 0 : i32
    %c0_i32_2 = arith.constant 0 : i32
    return %get3A_0, %c0_i32, %c0_i32_1 : i32, i32, i32
  }
  func.func @transform_2(%arg0: i32, %arg1: memref<40xi32, #tpu.memory_space<smem>>) -> (i32, i32, i32) {
    %get3A = arith.index_cast %arg0 : i32 to index
    %get3A_0 = memref.load %arg1[%get3A] : memref<40xi32, #tpu.memory_space<smem>>
    %c0_i32 = arith.constant 0 : i32
    %c0_i32_1 = arith.constant 0 : i32
    %c0_i32_2 = arith.constant 0 : i32
    return %get3A_0, %c0_i32, %c0_i32_1 : i32, i32, i32
  }
  func.func @transform_3(%arg0: i32, %arg1: memref<40xi32, #tpu.memory_space<smem>>) -> (i32, i32, i32) {
    %get3A = arith.index_cast %arg0 : i32 to index
    %get3A_0 = memref.load %arg1[%get3A] : memref<40xi32, #tpu.memory_space<smem>>
    %c0_i32 = arith.constant 0 : i32
    %c0_i32_1 = arith.constant 0 : i32
    %c0_i32_2 = arith.constant 0 : i32
    return %get3A_0, %c0_i32, %c0_i32_1 : i32, i32, i32
  }
  func.func @transform_4(%arg0: i32, %arg1: memref<40xi32, #tpu.memory_space<smem>>) -> (i32, i32, i32) {
    %get3A = arith.index_cast %arg0 : i32 to index
    %get3A_0 = memref.load %arg1[%get3A] : memref<40xi32, #tpu.memory_space<smem>>
    %c0_i32 = arith.constant 0 : i32
    %c0_i32_1 = arith.constant 0 : i32
    %c0_i32_2 = arith.constant 0 : i32
    return %get3A_0, %c0_i32, %c0_i32_1 : i32, i32, i32
  }
  func.func @transform_5(%arg0: i32, %arg1: memref<40xi32, #tpu.memory_space<smem>>) -> (i32, i32) {
    %c0_i32 = arith.constant 0 : i32
    %c0_i32_0 = arith.constant 0 : i32
    return %arg0, %c0_i32 : i32, i32
  }
  func.func @transform_6(%arg0: i32, %arg1: memref<40xi32, #tpu.memory_space<smem>>) -> (i32, i32) {
    %c0_i32 = arith.constant 0 : i32
    %c0_i32_0 = arith.constant 0 : i32
    return %arg0, %c0_i32 : i32, i32
  }
}

</mosaic_0001>

<sc_bundles>
// kernel: kernel.10.cloned.1.call-start
scs
__scs_entry_jumppad:
0x0: {  	(pc) =	sbr.rel $0x88, $3  }
0x1: {  	(tag) =	ssettag $0x0;
	lr =	simm.s32 $0x1  }
0x2: {  	[smem:$0x3F9A] =	sst lr;
	_ =	strace $0xD0000000  }
0x3: {  	_ = 	snop  }
0x4: {  	_ = 	snop  }
0x5: {  	_ = 	snop  }
0x6: {  	_ = 	snop  }
0x7: {  	_ = 	snop  }
__scs_overlays_trampoline_lowered:
0x8: {  	[smem:$0x3FA9] =	sst s0  }
0x9: {  	[smem:$0x3FAA] =	sst s1  }
0xa: {  	[smem:$0x3FAB] =	sst s2  }
0xb: {  	[smem:$0x3FAC] =	sst s3  }
0xc: {  	[smem:$0x3FAD] =	sst s4  }
0xd: {  	[smem:$0x3FAE] =	sst s5  }
0xe: {  	[smem:$0x3FAF] =	sst s6  }
0xf: {  	[smem:$0x3FB0] =	sst s7  }
0x10: {  	[smem:$0x3FB1] =	sst s8  }
0x11: {  	[smem:$0x3FB2] =	sst s9;
	s0 =	simm.s32 @!p0 $0x0  }
0x12: {  	s1 =	sld [smem:$0x3F98];
	s0 =	simm.s32 @p0 $0x1  }
0x13: {  	[smem:$0x3FB3] =	sst s0;
	s0 =	simm.s32 @!p1 $0x0  }
0x14: {  	s2 =	sld [smem:$0x3F97];
	s0 =	simm.s32 @p1 $0x1  }
0x15: {  	[smem:$0x3FB4] =	sst s0;
	s0 =	simm.s32 @!p2 $0x0  }
0x16: {  	s3 =	sld [smem:$0x3FDB];
	s0 =	simm.s32 @p2 $0x1  }
0x17: {  	s4 =	simm.s32 $0x1BF5;
	[smem:$0x3FB6] =	sst s0  }
0x18: {  	s0 =	sld [smem:$0x3F99];
	_ =	swait.ge [sflag:s4], $0x0  }
0x19: {  	s7 =	sld [smem:$0x3F9A]  }
0x1a: {  	s8 =	sadd.s32 $0xFFFFE003, lr  }
0x1b: {  	s9 =	sadd.s32 $0xFFFFFEF7, lr;
	s5 =	simm.s32 $0xFFFFFFFF;
	p2 =	slt.u32 s8, $0xFFFFF086  }
0x1c: {  	p1 =	slt.u32 s9, $0xF7A;
	s5 =	simm.s32 @!p2 $0x0  }
0x1d: {  	s5 =	simm.s32 @p1 $0x1;
	p0 =	seq.s32 s7, s2  }
0x1e: {  	s7 =	smul.u32 @!p0 $0xF7A, s2;
	p2 =	seq.s32 @!p0 s5, $0x0  }
0x1f: {  	s9 =	smul.u32 $0xF7A, s1;
	s8 =	simm.s32 @!p0 $0x1BF5;
	p2 =	por !p2, p0  }
0x20: {  	[sflag:s8] =	ssyncset.s32 @!p0 $0xFFFFF086;
	s6 =	sadd.s32 @!p0 s3, s7;
	s7 =	simm.s32 @!p0 $0x108  }
0x21: {  	s3 =	sadd.s32 s3, s9;
	s6 =	sadd.s32 @!p0 $0x88, s6;
	s7 =	simm.s32 @p2 $0x1082  }
0x22: {  	[simem:s7], [sflag:s8] =	dma.local @!p0 [hbm:s6], $0xF7A  }
0x23: {  	s9 =	sor.u32 $0xD0000000, s2;
	s6 =	simm.s32 $0x108;
	_ =	swait.ge @!p0 [sflag:s8], $0x0  }
0x24: {  	s3 =	sadd.s32 $0x88, s3;
	s6 =	simm.s32 @!p1 $0x1082;
	[sflag:s4] =	ssyncset.s32 $0xFFFFF086  }
0x25: {  	[simem:s6], [sflag:s4] =	dma.local [hbm:s3], $0xF7A  }
0x26: {  	[smem:$0x3F9A] =	sst s1;
	(tag) =	ssettag s2;
	_ =	strace s9  }
0x27: {  	s1 =	sld [smem:$0x3FAA]  }
0x28: {  	s2 =	sld [smem:$0x3FAB]  }
0x29: {  	s4 =	sld [smem:$0x3FAD]  }
0x2a: {  	p0 =	seq.s32 s5, $0x0;
	s5 =	sld [smem:$0x3FAE]  }
0x2b: {  	s6 =	sld [smem:$0x3FAF]  }
0x2c: {  	s7 =	sld [smem:$0x3FB0]  }
0x2d: {  	s3 =	simm.s32 $0x108;
	s8 =	sld [smem:$0x3FB1]  }
0x2e: {  	s3 =	simm.s32 @!p0 $0x1082;
	s9 =	sld [smem:$0x3FB2]  }
0x2f: {  	lr =	sadd.s32 s0, s3;
	s0 =	sld [smem:$0x3FA9]  }
0x30: {  	s3 =	sld [smem:$0x3FAC]  }
0x31: {  	[smem:$0x3FB5] =	sst s10  }
0x32: {  	s10 =	sld [smem:$0x3FB3];
	_ =	sdelay $0x3  }
0x33: {  	p0 =	seq.s32 s10, $0x1;
	s10 =	sld [smem:$0x3FB5];
	_ =	sdelay $0x3  }
0x34: {  	[smem:$0x3FB5] =	sst s10  }
0x35: {  	s10 =	sld [smem:$0x3FB4];
	_ =	sdelay $0x3  }
0x36: {  	p1 =	seq.s32 s10, $0x1;
	s10 =	sld [smem:$0x3FB5];
	_ =	sdelay $0x3  }
0x37: {  	[smem:$0x3FB5] =	sst s10  }
0x38: {  	s10 =	sld [smem:$0x3FB6]  }
0x39: {  	_ = 	snop;
	(pc) =	sbr.ind lr, $3  }
0x3a: {  	_ = 	snop  }
0x3b: {  	_ = 	snop  }
0x3c: {  	p2 =	seq.s32 s10, $0x1;
	s10 =	sld [smem:$0x3FB5]  }
0x3d: {  	_ =	shalt  }
0x3e: {  	_ =	shalt  }
0x3f: {  	_ =	shalt  }
0x40: {  	_ =	shalt  }
0x41: {  	_ =	shalt  }
0x42: {  	_ =	shalt  }
0x43: {  	_ =	shalt  }
0x44: {  	_ =	shalt  }
0x45: {  	_ =	shalt  }
0x46: {  	_ =	shalt  }
0x47: {  	_ =	shalt  }
0x48: {  	_ =	shalt  }
0x49: {  	_ =	shalt  }
0x4a: {  	_ =	shalt  }
0x4b: {  	_ =	shalt  }
0x4c: {  	_ =	shalt  }
0x4d: {  	_ =	shalt  }
0x4e: {  	_ =	shalt  }
0x4f: {  	_ =	shalt  }
0x50: {  	_ =	shalt  }
0x51: {  	_ =	shalt  }
0x52: {  	_ =	shalt  }
0x53: {  	_ =	shalt  }
0x54: {  	_ =	shalt  }
0x55: {  	_ =	shalt  }
0x56: {  	_ =	shalt  }
0x57: {  	_ =	shalt  }
0x58: {  	_ =	shalt  }
0x59: {  	_ =	shalt  }
0x5a: {  	_ =	shalt  }
0x5b: {  	_ =	shalt  }
0x5c: {  	_ =	shalt  }
0x5d: {  	_ =	shalt  }
0x5e: {  	_ =	shalt  }
0x5f: {  	_ =	shalt  }
0x60: {  	_ =	shalt  }
0x61: {  	_ =	shalt  }
0x62: {  	_ =	shalt  }
0x63: {  	_ =	shalt  }
0x64: {  	_ =	shalt  }
0x65: {  	_ =	shalt  }
0x66: {  	_ =	shalt  }
0x67: {  	_ =	shalt  }
0x68: {  	_ =	shalt  }
0x69: {  	_ =	shalt  }
0x6a: {  	_ =	shalt  }
0x6b: {  	_ =	shalt  }
0x6c: {  	_ =	shalt  }
0x6d: {  	_ =	shalt  }
0x6e: {  	_ =	shalt  }
0x6f: {  	_ =	shalt  }
0x70: {  	_ =	shalt  }
0x71: {  	_ =	shalt  }
0x72: {  	_ =	shalt  }
0x73: {  	_ =	shalt  }
0x74: {  	_ =	shalt  }
0x75: {  	_ =	shalt  }
0x76: {  	_ =	shalt  }
0x77: {  	_ =	shalt  }
0x78: {  	_ =	shalt  }
0x79: {  	_ =	shalt  }
0x7a: {  	_ =	shalt  }
0x7b: {  	_ =	shalt  }
0x7c: {  	_ =	shalt  }
0x7d: {  	_ =	shalt  }
0x7e: {  	_ =	shalt  }
0x7f: {  	_ =	shalt  }
0x80: {  	_ =	shalt  }
0x81: {  	_ =	shalt  }
0x82: {  	_ =	shalt  }
0x83: {  	_ =	shalt  }
0x84: {  	_ =	shalt  }
0x85: {  	_ =	shalt  }
0x86: {  	_ =	shalt  }
0x87: {  	_ =	shalt  }
.Lfunc_end0:
.L_simem_size_0:
called_computation.1_lowered:
.L_overlay_start_0:
0x88: {  	s2 =	sld [smem:$0x3FD9]  }
0x89: {  	s3 =	sld [smem:$0x3FFE];
	_ =	sdelay $0x1  }
0x8a: {  	s1 =	srdreg.scid  }
0x8b: {  	s0 =	sand.u32 $0x1, s1  }
0x8c: {  	s17 =	sshll.u32 s0, $0xA;
	s2 =	sadd.s32 s3, s2  }
0x8d: {  	s2 =	sadd.s32 s2, s17  }
0x8e: {  	[smem:$0x3FC1] =	sst s2  }
0x8f: {  	_ = 	snop  }
0x90: {  	s2 =	sld [smem:$0x3FC9]  }
0x91: {  	s18 =	sld [smem:$0x3FD0];
	(tm) =	ssettm $0x1  }
0x92: {  	s4 =	sld [smem:$0x3FFB];
	_ =	sdelay $0x3  }
0x93: {  	_ =	strace s4  }
0x94: {  	s4 =	sld [smem:$0x3FFC];
	_ =	sdelay $0x3  }
0x95: {  	_ =	strace s4  }
0x96: {  	s4 =	sld [smem:$0x3FFD];
	_ =	sdelay $0x3  }
0x97: {  	_ =	strace s4  }
0x98: {  	_ =	strace $0x8FFFFFFF  }
0x99: {  	s19 =	sld [smem:$0x3FDB];
	_ =	sdelay $0x1  }
0x9a: {  	s5 =	simm.s32 $_scs_section_size  }
0x9b: {  	s6 =	simm.s32 $_size__tile_overlayer_lowered;
	s7 =	simm.s32 $_tile_overlayer_lowered  }
0x9c: {  	s22 =	simm.s32 $0x1BFF;
	s21 =	sshll.u32 s7, $0x1;
	s4 =	sadd.s32 s5, s19  }
0x9d: {  	s8 =	simm.s32 $0x0;
	s20 =	sshll.u32 s6, $0x1;
	s6 =	sadd.s32 s21, s4  }
0x9e: {  	[timem:s8], [sflag:s22] =	dma.local [hbm:s6], s20  }
0x9f: {  	_ =	swait.ge [sflag:s22], s20  }
0xa0: {  	s5 =	ssub.s32 $0x0, s20;
	[sflag:s22] =	ssyncset.done $0x0  }
0xa1: {  	[sflag:s22] =	ssyncadd.s32 s5;
	_ =	sdelay $0x1  }
0xa2: {  	s23 =	simm.s32 $0x1B8B  }
0xa3: {  	_ =	swait.ge [sflag:s23], $0x1  }
0xa4: {  	[sflag:s23] =	ssyncset.done $0x0  }
0xa5: {  	s25 =	simm.s32 $0x1B8E;
	s24 =	sld [smem:$0x3FFE];
	[sflag:s23] =	ssyncadd.s32 $0xFFFFFFFF  }
0xa6: {  	s26 =	simm.s32 $execute0_lowered;
	[smem:$0x3FD2] =	sst s25  }
0xa7: {  	s6 =	sshll.u32 s26, $0x1;
	_ =	strace $0x80000049;
	[dreg:$0x1] =	wrdreg $0xFFFFFFFF  }
0xa8: {  	s28 =	simm.s32 $_size_execute0_lowered;
	s4 =	sadd.s32 s4, s6;
	[dreg:$0x0] =	wrdreg $0x0  }
0xa9: {  	s6 =	sshll.u32 s28, $0x1;
	[dreg:$0x2] =	wrdreg s4  }
0xaa: {  	[dreg:$0x3] =	wrdreg s6  }
0xab: {  	[dreg:$0x4] =	wrdreg $0xC0  }
0xac: {  	_ =	task [dreg:s8], $0x5FFFF  }
0xad: {  	[dreg:$0x1] =	wrdreg $0xFFFFFFFF  }
0xae: {  	[dreg:$0x0] =	wrdreg $0x60  }
0xaf: {  	[dreg:$0x2] =	wrdreg s2  }
0xb0: {  	[dreg:$0x3] =	wrdreg s18  }
0xb1: {  	[dreg:$0x4] =	wrdreg s24  }
0xb2: {  	[dreg:$0x5] =	wrdreg $0x9  }
0xb3: {  	_ =	task.clear_ibuf [dreg:s8], $0x6FFFF;
	_ =	strace $0x90000049  }
0xb4: {  	s29 =	simm.s32 $0x9;
	_ =	strace $0x8000004B  }
0xb5: {  	_ =	swait.ge [sflag:s29], $0x1  }
0xb6: {  	[sflag:s29] =	ssyncadd.s32 $0xFFFFFFFF  }
0xb7: {  	_ =	strace $0x9000004B  }
0xb8: {  	_ =	sfence  }
0xb9: {  	s30 =	sld [smem:$0x0];
	_ =	sdelay $0x2  }
0xba: {  	s31 =	sshll.u32 s1, $0xD;
	s1 =	sshrl.u32 s1, $0x2  }
0xbb: {  	s3 =	sand.u32 $0x4000, s31;
	s1 =	sadd.s32 s1, s30  }
0xbc: {  	s0 =	sor.u32 s3, s0;
	s1 =	sshll.u32 s1, $0x11  }
0xbd: {  	s0 =	sor.u32 s1, s0  }
0xbe: {  	s0 =	sadd.s32 $0x8F2B, s0  }
0xbf: {  	[sflag:s0] =	ssyncadd.remote.s32 $0x1  }
0xc0: {  	_ =	sfence.sel $0xFFFF  }
0xc1: {  	[dreg:$0x0] =	wrdreg $0xFFFFFFFF;
	(pc) =	sbr.abs _section_cstart, $3  }
0xc2: {  	[dreg:$0x1] =	wrdreg $0xFFFFFFFF  }
0xc3: {  	_ =	task.clear_ibuf [dreg:s8], $0x2FFFF;
	_ =	strace $0x9FFFFFFF  }
0xc4: {  	(tm) =	ssettm $0x7FFFFFFF  }
0xc5: {  	_ =	shalt  }
tec
execute0_lowered:
.L_overlay_start_1:
0x0: {  	(tag) =	ssettag $0x1  }
0x1: {  	s2 =	srdreg.scid  }
0x2: {  	s0 =	stileid.u32;
	s1 =	rddreg [dreg:$0x0]  }
0x3: {  	s4 =	rddreg [dreg:$0x1];
	s2 =	sand.u32 $0x1, s2;
	s3 =	sshll.u32 s0, $0x1  }
0x4: {  	s6 =	rddreg [dreg:$0x2];
	s5 =	sor.u32 s2, s3;
	s3 =	simm.s32 $0x0  }
0x5: {  	s12 =	simm.s32 $0x900;
	[smem:$0x7FF] =	sst s3  }
0x6: {  	s13 =	simm.s32 $0x1100;
	_ =	strace $0x8000004A;
	[dreg:$0x6] =	wrdreg s12  }
0x7: {  	s14 =	simm.s32 $0x1900;
	[dreg:$0x7] =	wrdreg s13  }
0x8: {  	s15 =	simm.s32 $0x2100;
	[dreg:$0x8] =	wrdreg s14  }
0x9: {  	s16 =	simm.s32 $0x2900;
	[dreg:$0x9] =	wrdreg s15  }
0xa: {  	s17 =	simm.s32 $0x3100;
	[dreg:$0xa] =	wrdreg s16  }
0xb: {  	s18 =	simm.s32 $0x3900;
	[dreg:$0xb] =	wrdreg s17  }
0xc: {  	s19 =	simm.s32 $0x4100;
	[dreg:$0xc] =	wrdreg s18  }
0xd: {  	s20 =	simm.s32 $0x4900;
	[dreg:$0xd] =	wrdreg s19  }
0xe: {  	s21 =	simm.s32 $0x5100;
	[dreg:$0xe] =	wrdreg s20  }
0xf: {  	s22 =	simm.s32 $0x5900;
	[dreg:$0xf] =	wrdreg s21  }
0x10: {  	s23 =	simm.s32 $0x6100;
	[dreg:$0x10] =	wrdreg s22  }
0x11: {  	s24 =	simm.s32 $0x6900;
	[dreg:$0x11] =	wrdreg s23  }
0x12: {  	s25 =	simm.s32 $0x7100;
	[dreg:$0x12] =	wrdreg s24  }
0x13: {  	s26 =	simm.s32 $0x7900;
	[dreg:$0x13] =	wrdreg s25  }
0x14: {  	s0 =	simm.s32 $0x8100;
	[dreg:$0x14] =	wrdreg s26  }
0x15: {  	s8 =	simm.s32 $0xA100;
	[dreg:$0x15] =	wrdreg s0  }
0x16: {  	s9 =	simm.s32 $0xA900;
	[dreg:$0x19] =	wrdreg s8  }
0x17: {  	s10 =	simm.s32 $0xB100;
	[dreg:$0x1a] =	wrdreg s9  }
0x18: {  	[dreg:$0x1b] =	wrdreg s10;
	s12 =	simm.s32 $0xC100  }
0x19: {  	s28 =	simm.s32 $0x1C100;
	s13 =	simm.s32 $0xC900;
	[dreg:$0x1d] =	wrdreg s12  }
0x1a: {  	s29 =	simm.s32 $0x1C900;
	s14 =	simm.s32 $0xD100;
	[dreg:$0x1e] =	wrdreg s13  }
0x1b: {  	s30 =	simm.s32 $0x1D100;
	s15 =	simm.s32 $0xD900;
	[dreg:$0x1f] =	wrdreg s14  }
0x1c: {  	s31 =	simm.s32 $0x1D900;
	s16 =	simm.s32 $0xE100;
	[smem:$0x7F3] =	sst s15  }
0x1d: {  	s2 =	ssub.s32 $0x2, s2;
	s17 =	simm.s32 $0xE900;
	[smem:$0x7F4] =	sst s16  }
0x1e: {  	s7 =	smul.u32 $0x3C00, s5;
	s18 =	simm.s32 $0xF100;
	[smem:$0x7F5] =	sst s17  }
0x1f: {  	s5 =	smul.u32 $0x14, s5;
	s20 =	simm.s32 $0xF900;
	[smem:$0x7F6] =	sst s18  }
0x20: {  	s19 =	sshrl.u32 s2, $0x1;
	s21 =	simm.s32 $0x10100;
	[smem:$0x7F7] =	sst s20  }
0x21: {  	s22 =	simm.s32 $0x10900;
	s23 =	simm.s32 $0x11100;
	[smem:$0x7F8] =	sst s21  }
0x22: {  	s24 =	simm.s32 $0x11900;
	s25 =	simm.s32 $0x12100;
	[smem:$0x7F9] =	sst s22  }
0x23: {  	s8 =	simm.s32 $0x100;
	s26 =	simm.s32 $0x12900;
	[smem:$0x7FA] =	sst s23  }
0x24: {  	s10 =	simm.s32 $0x13900;
	s6 =	sadd.s32 s7, s6;
	[smem:$0x7FB] =	sst s24  }
0x25: {  	s4 =	sadd.s32 s4, s5;
	s5 =	simm.s32 $0x8900;
	[smem:$0x7FC] =	sst s25  }
0x26: {  	s7 =	simm.s32 $0x9900;
	s2 =	ssub.s32 s2, s19;
	[smem:$0x7FD] =	sst s26  }
0x27: {  	s12 =	simm.s32 $0x14900;
	s13 =	simm.s32 $0x15100;
	s14 =	simm.s32 $0x15900  }
0x28: {  	s15 =	simm.s32 $0x16100;
	s16 =	simm.s32 $0x16900;
	s17 =	simm.s32 $0x17100  }
0x29: {  	s18 =	simm.s32 $0x17900;
	s19 =	simm.s32 $0x18100;
	s20 =	simm.s32 $0x18900  }
0x2a: {  	s21 =	simm.s32 $0x19100;
	s22 =	simm.s32 $0x19900;
	s23 =	simm.s32 $0x1A100  }
0x2b: {  	s24 =	simm.s32 $0x1A900;
	s25 =	simm.s32 $0x1B100;
	[dreg:$0x4] =	wrdreg s4  }
0x2c: {  	s26 =	simm.s32 $0x1B900;
	s11 =	sadd.s32 $0x1400, s6;
	[dreg:$0x16] =	wrdreg s5  }
0x2d: {  	s6 =	simm.s32 $0x9100;
	[dreg:$0x18] =	wrdreg s7;
	s4 =	sadd.s32 $0x100, s1  }
0x2e: {  	v2 =	vlaneseq.u32;
	s5 =	sadd.s32 $0x200, s1;
	s7 =	simm.s32 $0x2;
	[dreg:$0x5] =	wrdreg s11  }
0x2f: {  	vm0 =	vmmov $0xffff;
	v1 =	vshrl.u32 v2, $0x3;
	[dreg:$0x17] =	wrdreg s6;
	s11 =	simm.s32 $0xB900;
	s6 =	smax.u32 s2, $0x1  }
0x30: {  	v0 =	vand.u32 $0x7, v2;
	v2 =	vor.u32 $0x8, v2;
	v1 =	vmul.u32 $0x8, v1;
	s2 =	simm.s32 $0x1;
	[dreg:$0x1c] =	wrdreg s11;
	s11 =	simm.s32 $0x14100  }
.LBB2_1:
0x31: {  	s0 =	rddreg [dreg:$0x4]  }
0x32: {  	[tilespmem:s3], [sflag:$0x2] =	stream.linear.gather [hbm4b:s0+s3], $0xA0, $0x38;
	[tilespmem:$0x1E100] =	vst v63  }
0x33: {  	_ =	swait.ge [sflag:s7], $0xA0  }
0x34: {  	[sflag:s7] =	ssyncset.done $0x0  }
0x35: {  	[sflag:s7] =	ssyncadd.s32 $0xFFFFFF60  }
0x36: {  	v3 =	vld [tilespmem:$0x0];
	_ =	sdelay $0x4  }
0x37: {  	v4 =	vshrl.u32 v3, $0x3  }
0x38: {  	v4 =	vmul.u32 $0x30, v4  }
0x39: {  	v3 =	vand.u32 $0x7, v3  }
0x3a: {  	v3 =	vor.u32 v3, v4  }
0x3b: {  	v4 =	vperm.xlane v3, v0;
	_ =	sdelay $0x1  }
0x3c: {  	v4 =	vadd.s32 v1, v4;
	_ =	sdelay $0x3  }
0x3d: {  	v3 =	vperm.xlane v3, v2  }
0x3e: {  	[tilespmem:s8], [sflag:$0x1] =	stream.indirect_vreg.gather [hbm4b:s1+s3], $0x80, v4, vm0, $0xb8;
	[tilespmem:$0x1E100] =	vst v63  }
0x3f: {  	s0 =	rddreg [dreg:$0x6];
	v3 =	vadd.s32 v1, v3  }
0x40: {  	[tilespmem:s0], [sflag:$0x1] =	stream.indirect_vreg.gather [hbm4b:s4+s3], $0x80, v4, vm0, $0xb8;
	[tilespmem:$0x1E100] =	vst v63  }
0x41: {  	s9 =	rddreg [dreg:$0x7]  }
0x42: {  	[tilespmem:s9], [sflag:$0x1] =	stream.indirect_vreg.gather [hbm4b:s5+s3], $0x80, v4, vm0, $0xb8;
	[tilespmem:$0x1E100] =	vst v63  }
0x43: {  	s0 =	rddreg [dreg:$0x8]  }
0x44: {  	[tilespmem:s0], [sflag:$0x1] =	stream.indirect_vreg.gather [hbm4b:s1+s3], $0x80, v3, vm0, $0xb8;
	[tilespmem:$0x1E100] =	vst v63  }
0x45: {  	s9 =	rddreg [dreg:$0x9]  }
0x46: {  	[tilespmem:s9], [sflag:$0x1] =	stream.indirect_vreg.gather [hbm4b:s4+s3], $0x80, v3, vm0, $0xb8;
	[tilespmem:$0x1E100] =	vst v63  }
0x47: {  	s0 =	rddreg [dreg:$0xa]  }
0x48: {  	[tilespmem:s0], [sflag:$0x1] =	stream.indirect_vreg.gather [hbm4b:s5+s3], $0x80, v3, vm0, $0xb8;
	[tilespmem:$0x1E100] =	vst v63  }
0x49: {  	v3 =	vld [tilespmem:$0x10];
	_ =	sdelay $0x4  }
0x4a: {  	v55 =	vshrl.u32 v3, $0x3  }
0x4b: {  	v4 =	vmul.u32 $0x30, v55  }
0x4c: {  	v3 =	vand.u32 $0x7, v3  }
0x4d: {  	v3 =	vor.u32 v3, v4  }
0x4e: {  	v4 =	vperm.xlane v3, v0;
	_ =	sdelay $0x1  }
0x4f: {  	v4 =	vadd.s32 v1, v4;
	_ =	sdelay $0x3  }
0x50: {  	s0 =	rddreg [dreg:$0xb];
	v3 =	vperm.xlane v3, v2  }
0x51: {  	[tilespmem:s0], [sflag:$0x1] =	stream.indirect_vreg.gather [hbm4b:s1+s3], $0x80, v4, vm0, $0xb8;
	[tilespmem:$0x1E100] =	vst v63  }
0x52: {  	s9 =	rddreg [dreg:$0xc];
	v3 =	vadd.s32 v1, v3  }
0x53: {  	[tilespmem:s9], [sflag:$0x1] =	stream.indirect_vreg.gather [hbm4b:s4+s3], $0x80, v4, vm0, $0xb8;
	[tilespmem:$0x1E100] =	vst v63  }
0x54: {  	s0 =	rddreg [dreg:$0xd]  }
0x55: {  	[tilespmem:s0], [sflag:$0x1] =	stream.indirect_vreg.gather [hbm4b:s5+s3], $0x80, v4, vm0, $0xb8;
	[tilespmem:$0x1E100] =	vst v63  }
0x56: {  	s9 =	rddreg [dreg:$0xe]  }
0x57: {  	[tilespmem:s9], [sflag:$0x1] =	stream.indirect_vreg.gather [hbm4b:s1+s3], $0x80, v3, vm0, $0xb8;
	[tilespmem:$0x1E100] =	vst v63  }
0x58: {  	s0 =	rddreg [dreg:$0xf]  }
0x59: {  	[tilespmem:s0], [sflag:$0x1] =	stream.indirect_vreg.gather [hbm4b:s4+s3], $0x80, v3, vm0, $0xb8;
	[tilespmem:$0x1E100] =	vst v63  }
0x5a: {  	s9 =	rddreg [dreg:$0x10]  }
0x5b: {  	[tilespmem:s9], [sflag:$0x1] =	stream.indirect_vreg.gather [hbm4b:s5+s3], $0x80, v3, vm0, $0xb8;
	[tilespmem:$0x1E100] =	vst v63  }
0x5c: {  	v3 =	vld [tilespmem:$0x20];
	_ =	sdelay $0x4  }
0x5d: {  	v56 =	vshrl.u32 v3, $0x3  }
0x5e: {  	v4 =	vmul.u32 $0x30, v56  }
0x5f: {  	v3 =	vand.u32 $0x7, v3  }
0x60: {  	v3 =	vor.u32 v3, v4  }
0x61: {  	v4 =	vperm.xlane v3, v0;
	_ =	sdelay $0x1  }
0x62: {  	v4 =	vadd.s32 v1, v4;
	_ =	sdelay $0x3  }
0x63: {  	s0 =	rddreg [dreg:$0x11];
	v3 =	vperm.xlane v3, v2  }
0x64: {  	[tilespmem:s0], [sflag:$0x1] =	stream.indirect_vreg.gather [hbm4b:s1+s3], $0x80, v4, vm0, $0xb8;
	[tilespmem:$0x1E100] =	vst v63  }
0x65: {  	s9 =	rddreg [dreg:$0x12];
	v3 =	vadd.s32 v1, v3  }
0x66: {  	[tilespmem:s9], [sflag:$0x1] =	stream.indirect_vreg.gather [hbm4b:s4+s3], $0x80, v4, vm0, $0xb8;
	[tilespmem:$0x1E100] =	vst v63  }
0x67: {  	s0 =	rddreg [dreg:$0x13]  }
0x68: {  	[tilespmem:s0], [sflag:$0x1] =	stream.indirect_vreg.gather [hbm4b:s5+s3], $0x80, v4, vm0, $0xb8;
	[tilespmem:$0x1E100] =	vst v63  }
0x69: {  	s9 =	rddreg [dreg:$0x14]  }
0x6a: {  	[tilespmem:s9], [sflag:$0x1] =	stream.indirect_vreg.gather [hbm4b:s1+s3], $0x80, v3, vm0, $0xb8;
	[tilespmem:$0x1E100] =	vst v63  }
0x6b: {  	s0 =	rddreg [dreg:$0x15]  }
0x6c: {  	[tilespmem:s0], [sflag:$0x1] =	stream.indirect_vreg.gather [hbm4b:s4+s3], $0x80, v3, vm0, $0xb8;
	[tilespmem:$0x1E100] =	vst v63  }
0x6d: {  	s9 =	rddreg [dreg:$0x16]  }
0x6e: {  	[tilespmem:s9], [sflag:$0x1] =	stream.indirect_vreg.gather [hbm4b:s5+s3], $0x80, v3, vm0, $0xb8;
	[tilespmem:$0x1E100] =	vst v63  }
0x6f: {  	v3 =	vld [tilespmem:$0x30];
	_ =	sdelay $0x4  }
0x70: {  	v57 =	vshrl.u32 v3, $0x3  }
0x71: {  	v4 =	vmul.u32 $0x30, v57  }
0x72: {  	v3 =	vand.u32 $0x7, v3  }
0x73: {  	v3 =	vor.u32 v3, v4  }
0x74: {  	v4 =	vperm.xlane v3, v0;
	_ =	sdelay $0x1  }
0x75: {  	v4 =	vadd.s32 v1, v4;
	_ =	sdelay $0x3  }
0x76: {  	s0 =	rddreg [dreg:$0x17];
	v3 =	vperm.xlane v3, v2  }
0x77: {  	[tilespmem:s0], [sflag:$0x1] =	stream.indirect_vreg.gather [hbm4b:s1+s3], $0x80, v4, vm0, $0xb8;
	[tilespmem:$0x1E100] =	vst v63  }
0x78: {  	s9 =	rddreg [dreg:$0x18];
	v3 =	vadd.s32 v1, v3  }
0x79: {  	[tilespmem:s9], [sflag:$0x1] =	stream.indirect_vreg.gather [hbm4b:s4+s3], $0x80, v4, vm0, $0xb8;
	[tilespmem:$0x1E100] =	vst v63  }
0x7a: {  	s0 =	rddreg [dreg:$0x19]  }
0x7b: {  	[tilespmem:s0], [sflag:$0x1] =	stream.indirect_vreg.gather [hbm4b:s5+s3], $0x80, v4, vm0, $0xb8;
	[tilespmem:$0x1E100] =	vst v63  }
0x7c: {  	s9 =	rddreg [dreg:$0x1a]  }
0x7d: {  	[tilespmem:s9], [sflag:$0x1] =	stream.indirect_vreg.gather [hbm4b:s1+s3], $0x80, v3, vm0, $0xb8;
	[tilespmem:$0x1E100] =	vst v63  }
0x7e: {  	s0 =	rddreg [dreg:$0x1b]  }
0x7f: {  	[tilespmem:s0], [sflag:$0x1] =	stream.indirect_vreg.gather [hbm4b:s4+s3], $0x80, v3, vm0, $0xb8;
	[tilespmem:$0x1E100] =	vst v63  }
0x80: {  	s9 =	rddreg [dreg:$0x1c]  }
0x81: {  	[tilespmem:s9], [sflag:$0x1] =	stream.indirect_vreg.gather [hbm4b:s5+s3], $0x80, v3, vm0, $0xb8;
	[tilespmem:$0x1E100] =	vst v63  }
0x82: {  	v3 =	vld [tilespmem:$0x40];
	_ =	sdelay $0x4  }
0x83: {  	v58 =	vshrl.u32 v3, $0x3  }
0x84: {  	v4 =	vmul.u32 $0x30, v58  }
0x85: {  	v3 =	vand.u32 $0x7, v3  }
0x86: {  	v3 =	vor.u32 v3, v4  }
0x87: {  	v4 =	vperm.xlane v3, v0;
	_ =	sdelay $0x1  }
0x88: {  	v4 =	vadd.s32 v1, v4;
	_ =	sdelay $0x2  }
0x89: {  	s0 =	rddreg [dreg:$0x1d]  }
0x8a: {  	s9 =	rddreg [dreg:$0x1e];
	v3 =	vperm.xlane v3, v2  }
0x8b: {  	[tilespmem:s0], [sflag:$0x1] =	stream.indirect_vreg.gather [hbm4b:s1+s3], $0x80, v4, vm0, $0xb8;
	[tilespmem:$0x1E100] =	vst v63  }
0x8c: {  	v3 =	vadd.s32 v1, v3;
	s0 =	rddreg [dreg:$0x1f]  }
0x8d: {  	[tilespmem:s9], [sflag:$0x1] =	stream.indirect_vreg.gather [hbm4b:s4+s3], $0x80, v4, vm0, $0xb8;
	[tilespmem:$0x1E100] =	vst v63  }
0x8e: {  	s9 =	sld [smem:$0x7F3]  }
0x8f: {  	[tilespmem:s0], [sflag:$0x1] =	stream.indirect_vreg.gather [hbm4b:s5+s3], $0x80, v4, vm0, $0xb8;
	[tilespmem:$0x1E100] =	vst v63  }
0x90: {  	s0 =	sld [smem:$0x7F4]  }
0x91: {  	[tilespmem:s9], [sflag:$0x1] =	stream.indirect_vreg.gather [hbm4b:s1+s3], $0x80, v3, vm0, $0xb8;
	[tilespmem:$0x1E100] =	vst v63  }
0x92: {  	s9 =	sld [smem:$0x7F5]  }
0x93: {  	[tilespmem:s0], [sflag:$0x1] =	stream.indirect_vreg.gather [hbm4b:s4+s3], $0x80, v3, vm0, $0xb8;
	[tilespmem:$0x1E100] =	vst v63  }
0x94: {  	_ = 	snop  }
0x95: {  	[tilespmem:s9], [sflag:$0x1] =	stream.indirect_vreg.gather [hbm4b:s5+s3], $0x80, v3, vm0, $0xb8;
	[tilespmem:$0x1E100] =	vst v63  }
0x96: {  	v3 =	vld [tilespmem:$0x50];
	_ =	sdelay $0x4  }
0x97: {  	v59 =	vshrl.u32 v3, $0x3  }
0x98: {  	v4 =	vmul.u32 $0x30, v59  }
0x99: {  	v3 =	vand.u32 $0x7, v3  }
0x9a: {  	v3 =	vor.u32 v3, v4  }
0x9b: {  	v4 =	vperm.xlane v3, v0;
	_ =	sdelay $0x1  }
0x9c: {  	v4 =	vadd.s32 v1, v4;
	_ =	sdelay $0x1  }
0x9d: {  	s0 =	sld [smem:$0x7F6];
	_ =	sdelay $0x1  }
0x9e: {  	s9 =	sld [smem:$0x7F7];
	v3 =	vperm.xlane v3, v2  }
0x9f: {  	[tilespmem:s0], [sflag:$0x1] =	stream.indirect_vreg.gather [hbm4b:s1+s3], $0x80, v4, vm0, $0xb8;
	[tilespmem:$0x1E100] =	vst v63  }
0xa0: {  	v3 =	vadd.s32 v1, v3;
	s0 =	sld [smem:$0x7F8]  }
0xa1: {  	[tilespmem:s9], [sflag:$0x1] =	stream.indirect_vreg.gather [hbm4b:s4+s3], $0x80, v4, vm0, $0xb8;
	[tilespmem:$0x1E100] =	vst v63  }
0xa2: {  	s9 =	sld [smem:$0x7F9]  }
0xa3: {  	[tilespmem:s0], [sflag:$0x1] =	stream.indirect_vreg.gather [hbm4b:s5+s3], $0x80, v4, vm0, $0xb8;
	[tilespmem:$0x1E100] =	vst v63  }
0xa4: {  	s0 =	sld [smem:$0x7FA]  }
0xa5: {  	[tilespmem:s9], [sflag:$0x1] =	stream.indirect_vreg.gather [hbm4b:s1+s3], $0x80, v3, vm0, $0xb8;
	[tilespmem:$0x1E100] =	vst v63  }
0xa6: {  	s9 =	sld [smem:$0x7FB]  }
0xa7: {  	[tilespmem:s0], [sflag:$0x1] =	stream.indirect_vreg.gather [hbm4b:s4+s3], $0x80, v3, vm0, $0xb8;
	[tilespmem:$0x1E100] =	vst v63  }
0xa8: {  	_ = 	snop  }
0xa9: {  	[tilespmem:s9], [sflag:$0x1] =	stream.indirect_vreg.gather [hbm4b:s5+s3], $0x80, v3, vm0, $0xb8;
	[tilespmem:$0x1E100] =	vst v63  }
0xaa: {  	v3 =	vld [tilespmem:$0x60];
	_ =	sdelay $0x4  }
0xab: {  	v60 =	vshrl.u32 v3, $0x3  }
0xac: {  	v4 =	vmul.u32 $0x30, v60  }
0xad: {  	v3 =	vand.u32 $0x7, v3  }
0xae: {  	v3 =	vor.u32 v3, v4  }
0xaf: {  	v4 =	vperm.xlane v3, v0;
	_ =	sdelay $0x1  }
0xb0: {  	v4 =	vadd.s32 v1, v4;
	_ =	sdelay $0x1  }
0xb1: {  	s0 =	sld [smem:$0x7FC];
	_ =	sdelay $0x1  }
0xb2: {  	s9 =	sld [smem:$0x7FD];
	v3 =	vperm.xlane v3, v2  }
0xb3: {  	[tilespmem:s0], [sflag:$0x1] =	stream.indirect_vreg.gather [hbm4b:s1+s3], $0x80, v4, vm0, $0xb8;
	[tilespmem:$0x1E100] =	vst v63  }
0xb4: {  	v3 =	vadd.s32 v1, v3  }
0xb5: {  	[tilespmem:s9], [sflag:$0x1] =	stream.indirect_vreg.gather [hbm4b:s4+s3], $0x80, v4, vm0, $0xb8;
	[tilespmem:$0x1E100] =	vst v63  }
0xb6: {  	s9 =	simm.s32 $0x13100  }
0xb7: {  	[tilespmem:s9], [sflag:$0x1] =	stream.indirect_vreg.gather [hbm4b:s5+s3], $0x80, v4, vm0, $0xb8;
	[tilespmem:$0x1E100] =	vst v63  }
0xb8: {  	_ = 	snop  }
0xb9: {  	[tilespmem:s10], [sflag:$0x1] =	stream.indirect_vreg.gather [hbm4b:s1+s3], $0x80, v3, vm0, $0xb8;
	[tilespmem:$0x1E100] =	vst v63  }
0xba: {  	_ = 	snop  }
0xbb: {  	[tilespmem:s11], [sflag:$0x1] =	stream.indirect_vreg.gather [hbm4b:s4+s3], $0x80, v3, vm0, $0xb8;
	[tilespmem:$0x1E100] =	vst v63  }
0xbc: {  	_ = 	snop  }
0xbd: {  	[tilespmem:s12], [sflag:$0x1] =	stream.indirect_vreg.gather [hbm4b:s5+s3], $0x80, v3, vm0, $0xb8;
	[tilespmem:$0x1E100] =	vst v63  }
0xbe: {  	v3 =	vld [tilespmem:$0x70];
	_ =	sdelay $0x4  }
0xbf: {  	v61 =	vshrl.u32 v3, $0x3  }
0xc0: {  	v4 =	vmul.u32 $0x30, v61  }
0xc1: {  	v3 =	vand.u32 $0x7, v3  }
0xc2: {  	v3 =	vor.u32 v3, v4  }
0xc3: {  	v4 =	vperm.xlane v3, v0;
	_ =	sdelay $0x1  }
0xc4: {  	v4 =	vadd.s32 v1, v4;
	_ =	sdelay $0x3  }
0xc5: {  	v3 =	vperm.xlane v3, v2  }
0xc6: {  	[tilespmem:s13], [sflag:$0x1] =	stream.indirect_vreg.gather [hbm4b:s1+s3], $0x80, v4, vm0, $0xb8;
	[tilespmem:$0x1E100] =	vst v63  }
0xc7: {  	v3 =	vadd.s32 v1, v3  }
0xc8: {  	[tilespmem:s14], [sflag:$0x1] =	stream.indirect_vreg.gather [hbm4b:s4+s3], $0x80, v4, vm0, $0xb8;
	[tilespmem:$0x1E100] =	vst v63  }
0xc9: {  	_ = 	snop  }
0xca: {  	[tilespmem:s15], [sflag:$0x1] =	stream.indirect_vreg.gather [hbm4b:s5+s3], $0x80, v4, vm0, $0xb8;
	[tilespmem:$0x1E100] =	vst v63  }
0xcb: {  	_ = 	snop  }
0xcc: {  	[tilespmem:s16], [sflag:$0x1] =	stream.indirect_vreg.gather [hbm4b:s1+s3], $0x80, v3, vm0, $0xb8;
	[tilespmem:$0x1E100] =	vst v63  }
0xcd: {  	_ = 	snop  }
0xce: {  	[tilespmem:s17], [sflag:$0x1] =	stream.indirect_vreg.gather [hbm4b:s4+s3], $0x80, v3, vm0, $0xb8;
	[tilespmem:$0x1E100] =	vst v63  }
0xcf: {  	_ = 	snop  }
0xd0: {  	[tilespmem:s18], [sflag:$0x1] =	stream.indirect_vreg.gather [hbm4b:s5+s3], $0x80, v3, vm0, $0xb8;
	[tilespmem:$0x1E100] =	vst v63  }
0xd1: {  	v3 =	vld [tilespmem:$0x80];
	_ =	sdelay $0x4  }
0xd2: {  	v62 =	vshrl.u32 v3, $0x3  }
0xd3: {  	v4 =	vmul.u32 $0x30, v62  }
0xd4: {  	v3 =	vand.u32 $0x7, v3  }
0xd5: {  	v3 =	vor.u32 v3, v4  }
0xd6: {  	v4 =	vperm.xlane v3, v0;
	_ =	sdelay $0x1  }
0xd7: {  	v4 =	vadd.s32 v1, v4;
	_ =	sdelay $0x3  }
0xd8: {  	v3 =	vperm.xlane v3, v2  }
0xd9: {  	[tilespmem:s19], [sflag:$0x1] =	stream.indirect_vreg.gather [hbm4b:s1+s3], $0x80, v4, vm0, $0xb8;
	[tilespmem:$0x1E100] =	vst v63  }
0xda: {  	v3 =	vadd.s32 v1, v3  }
0xdb: {  	[tilespmem:s20], [sflag:$0x1] =	stream.indirect_vreg.gather [hbm4b:s4+s3], $0x80, v4, vm0, $0xb8;
	[tilespmem:$0x1E100] =	vst v63  }
0xdc: {  	_ = 	snop  }
0xdd: {  	[tilespmem:s21], [sflag:$0x1] =	stream.indirect_vreg.gather [hbm4b:s5+s3], $0x80, v4, vm0, $0xb8;
	[tilespmem:$0x1E100] =	vst v63  }
0xde: {  	_ = 	snop  }
0xdf: {  	[tilespmem:s22], [sflag:$0x1] =	stream.indirect_vreg.gather [hbm4b:s1+s3], $0x80, v3, vm0, $0xb8;
	[tilespmem:$0x1E100] =	vst v63  }
0xe0: {  	_ = 	snop  }
0xe1: {  	[tilespmem:s23], [sflag:$0x1] =	stream.indirect_vreg.gather [hbm4b:s4+s3], $0x80, v3, vm0, $0xb8;
	[tilespmem:$0x1E100] =	vst v63  }
0xe2: {  	_ = 	snop  }
0xe3: {  	[tilespmem:s24], [sflag:$0x1] =	stream.indirect_vreg.gather [hbm4b:s5+s3], $0x80, v3, vm0, $0xb8;
	[tilespmem:$0x1E100] =	vst v63  }
0xe4: {  	v3 =	vld [tilespmem:$0x90];
	_ =	sdelay $0x4  }
0xe5: {  	v63 =	vshrl.u32 v3, $0x3  }
0xe6: {  	v4 =	vmul.u32 $0x30, v63  }
0xe7: {  	v3 =	vand.u32 $0x7, v3  }
0xe8: {  	v3 =	vor.u32 v3, v4  }
0xe9: {  	v4 =	vperm.xlane v3, v0;
	_ =	sdelay $0x1  }
0xea: {  	v4 =	vadd.s32 v1, v4;
	_ =	sdelay $0x3  }
0xeb: {  	v3 =	vperm.xlane v3, v2  }
0xec: {  	[tilespmem:s25], [sflag:$0x1] =	stream.indirect_vreg.gather [hbm4b:s1+s3], $0x80, v4, vm0, $0xb8;
	[tilespmem:$0x1E100] =	vst v63  }
0xed: {  	v3 =	vadd.s32 v1, v3  }
0xee: {  	[tilespmem:s26], [sflag:$0x1] =	stream.indirect_vreg.gather [hbm4b:s4+s3], $0x80, v4, vm0, $0xb8;
	[tilespmem:$0x1E100] =	vst v63  }
0xef: {  	_ = 	snop  }
0xf0: {  	[tilespmem:s28], [sflag:$0x1] =	stream.indirect_vreg.gather [hbm4b:s5+s3], $0x80, v4, vm0, $0xb8;
	[tilespmem:$0x1E100] =	vst v63  }
0xf1: {  	_ = 	snop  }
0xf2: {  	[tilespmem:s29], [sflag:$0x1] =	stream.indirect_vreg.gather [hbm4b:s1+s3], $0x80, v3, vm0, $0xb8;
	[tilespmem:$0x1E100] =	vst v63  }
0xf3: {  	_ = 	snop  }
0xf4: {  	[tilespmem:s30], [sflag:$0x1] =	stream.indirect_vreg.gather [hbm4b:s4+s3], $0x80, v3, vm0, $0xb8;
	[tilespmem:$0x1E100] =	vst v63  }
0xf5: {  	_ = 	snop  }
0xf6: {  	[tilespmem:s31], [sflag:$0x1] =	stream.indirect_vreg.gather [hbm4b:s5+s3], $0x80, v3, vm0, $0xb8;
	[tilespmem:$0x1E100] =	vst v63  }
0xf7: {  	_ =	swait.ge [sflag:s2], $0x1E000  }
0xf8: {  	p0 =	sne.s32 s6, $0x1;
	[sflag:s2] =	ssyncset.done $0x0  }
.Ltmp0:
0xf9: {  	s9 =	rddreg [dreg:$0x5];
	[sflag:s2] =	ssyncadd.s32 $0xFFFE2000;
	(pc) =	sbr.rel @p0 .LBB2_1-.Ltmp0, $4  }
0xfa: {  	[hbm4b:s9+s3] =	stream.linear.scatter [tilespmem:s8], [sflag:$0x2], $0x1E000, $0x38;
	[tilespmem:$0x1E100] =	vst v63  }
0xfb: {  	_ =	swait.ge [sflag:s7], $0x1E000  }
0xfc: {  	[sflag:s7] =	ssyncset.done $0x0  }
0xfd: {  	s6 =	sadd.s32 $0xFFFFFFFF, s6;
	[sflag:s7] =	ssyncadd.s32 $0xFFFE2000  }
0xfe: {  	_ =	sfence.sel $0x180000  }
0xff: {  	[bflag:$0x0] =	sbarrier.arrive $0xFFFF  }
0x100: {  	_ =	strace $0x9000004A  }
0x101: {  	s0 =	stileid.u32;
	[bflag:$0x2] =	sbarrier.arrive $0xFFFF  }
0x102: {  	p0 =	sne.s32 s0, $0x0;
	s0 =	rddreg [dreg:$0x3]  }
0x103: {  	s0 =	sadd.s32 @!p0 $0x100000, s0  }
0x104: {  	[sflag:s0] =	ssyncadd.tile.s32 @!p0 $0x1;
	_ =	shalt  }
.Lfunc_end2:
_tile_overlayer_lowered:
.L_overlay_start_2:
0x105: {  	(tag) =	ssettag $0x2  }
0x106: {  	s0 =	rddreg [dreg:$0x0];
	s2 =	stileid.u32  }
0x107: {  	s1 =	rddreg [dreg:$0x1];
	p0 =	sne.s32 s2, $0x0  }
0x108: {  	s3 =	rddreg [dreg:$0x2];
	[bflag:$0x3] =	sbarrier.arrive $0xFFFF;
	s2 =	simm.s32 @!p0 $0x1C02  }
0x109: {  	[timem:s3], [sflag:s2] =	dma.local @!p0 [hbm:s0], s1  }
0x10a: {  	s0 =	simm.s32 @!p0 $0x2  }
0x10b: {  	_ =	swait.ge @!p0 [sflag:s0], s1  }
0x10c: {  	s1 =	ssub.s32 @!p0 $0x0, s1;
	[sflag:s0] =	ssyncset.done @!p0 $0x0  }
0x10d: {  	[sflag:s0] =	ssyncadd.s32 @!p0 s1  }
0x10e: {  	[bflag:$0x3] =	sbarrier.arrive $0xFFFF  }
0x10f: {  	_ =	shalt  }

// kernel: kernel.13.cloned.1.call-start
scs
__scs_entry_jumppad:
0x0: {  	(pc) =	sbr.rel $0x88, $3  }
0x1: {  	(tag) =	ssettag $0x0;
	lr =	simm.s32 $0x1  }
0x2: {  	[smem:$0x3F9A] =	sst lr;
	_ =	strace $0xD0000000  }
0x3: {  	_ = 	snop  }
0x4: {  	_ = 	snop  }
0x5: {  	_ = 	snop  }
0x6: {  	_ = 	snop  }
0x7: {  	_ = 	snop  }
__scs_overlays_trampoline_lowered:
0x8: {  	[smem:$0x3FA9] =	sst s0  }
0x9: {  	[smem:$0x3FAA] =	sst s1  }
0xa: {  	[smem:$0x3FAB] =	sst s2  }
0xb: {  	[smem:$0x3FAC] =	sst s3  }
0xc: {  	[smem:$0x3FAD] =	sst s4  }
0xd: {  	[smem:$0x3FAE] =	sst s5  }
0xe: {  	[smem:$0x3FAF] =	sst s6  }
0xf: {  	[smem:$0x3FB0] =	sst s7  }
0x10: {  	[smem:$0x3FB1] =	sst s8  }
0x11: {  	[smem:$0x3FB2] =	sst s9;
	s0 =	simm.s32 @!p0 $0x0  }
0x12: {  	s1 =	sld [smem:$0x3F98];
	s0 =	simm.s32 @p0 $0x1  }
0x13: {  	[smem:$0x3FB3] =	sst s0;
	s0 =	simm.s32 @!p1 $0x0  }
0x14: {  	s2 =	sld [smem:$0x3F97];
	s0 =	simm.s32 @p1 $0x1  }
0x15: {  	[smem:$0x3FB4] =	sst s0;
	s0 =	simm.s32 @!p2 $0x0  }
0x16: {  	s3 =	sld [smem:$0x3FDB];
	s0 =	simm.s32 @p2 $0x1  }
0x17: {  	s4 =	simm.s32 $0x1BF5;
	[smem:$0x3FB6] =	sst s0  }
0x18: {  	s0 =	sld [smem:$0x3F99];
	_ =	swait.ge [sflag:s4], $0x0  }
0x19: {  	s7 =	sld [smem:$0x3F9A]  }
0x1a: {  	s8 =	sadd.s32 $0xFFFFE003, lr  }
0x1b: {  	s9 =	sadd.s32 $0xFFFFFEF7, lr;
	s5 =	simm.s32 $0xFFFFFFFF;
	p2 =	slt.u32 s8, $0xFFFFF086  }
0x1c: {  	p1 =	slt.u32 s9, $0xF7A;
	s5 =	simm.s32 @!p2 $0x0  }
0x1d: {  	s5 =	simm.s32 @p1 $0x1;
	p0 =	seq.s32 s7, s2  }
0x1e: {  	s7 =	smul.u32 @!p0 $0xF7A, s2;
	p2 =	seq.s32 @!p0 s5, $0x0  }
0x1f: {  	s9 =	smul.u32 $0xF7A, s1;
	s8 =	simm.s32 @!p0 $0x1BF5;
	p2 =	por !p2, p0  }
0x20: {  	[sflag:s8] =	ssyncset.s32 @!p0 $0xFFFFF086;
	s6 =	sadd.s32 @!p0 s3, s7;
	s7 =	simm.s32 @!p0 $0x108  }
0x21: {  	s3 =	sadd.s32 s3, s9;
	s6 =	sadd.s32 @!p0 $0x88, s6;
	s7 =	simm.s32 @p2 $0x1082  }
0x22: {  	[simem:s7], [sflag:s8] =	dma.local @!p0 [hbm:s6], $0xF7A  }
0x23: {  	s9 =	sor.u32 $0xD0000000, s2;
	s6 =	simm.s32 $0x108;
	_ =	swait.ge @!p0 [sflag:s8], $0x0  }
0x24: {  	s3 =	sadd.s32 $0x88, s3;
	s6 =	simm.s32 @!p1 $0x1082;
	[sflag:s4] =	ssyncset.s32 $0xFFFFF086  }
0x25: {  	[simem:s6], [sflag:s4] =	dma.local [hbm:s3], $0xF7A  }
0x26: {  	[smem:$0x3F9A] =	sst s1;
	(tag) =	ssettag s2;
	_ =	strace s9  }
0x27: {  	s1 =	sld [smem:$0x3FAA]  }
0x28: {  	s2 =	sld [smem:$0x3FAB]  }
0x29: {  	s4 =	sld [smem:$0x3FAD]  }
0x2a: {  	p0 =	seq.s32 s5, $0x0;
	s5 =	sld [smem:$0x3FAE]  }
0x2b: {  	s6 =	sld [smem:$0x3FAF]  }
0x2c: {  	s7 =	sld [smem:$0x3FB0]  }
0x2d: {  	s3 =	simm.s32 $0x108;
	s8 =	sld [smem:$0x3FB1]  }
0x2e: {  	s3 =	simm.s32 @!p0 $0x1082;
	s9 =	sld [smem:$0x3FB2]  }
0x2f: {  	lr =	sadd.s32 s0, s3;
	s0 =	sld [smem:$0x3FA9]  }
0x30: {  	s3 =	sld [smem:$0x3FAC]  }
0x31: {  	[smem:$0x3FB5] =	sst s10  }
0x32: {  	s10 =	sld [smem:$0x3FB3];
	_ =	sdelay $0x3  }
0x33: {  	p0 =	seq.s32 s10, $0x1;
	s10 =	sld [smem:$0x3FB5];
	_ =	sdelay $0x3  }
0x34: {  	[smem:$0x3FB5] =	sst s10  }
0x35: {  	s10 =	sld [smem:$0x3FB4];
	_ =	sdelay $0x3  }
0x36: {  	p1 =	seq.s32 s10, $0x1;
	s10 =	sld [smem:$0x3FB5];
	_ =	sdelay $0x3  }
0x37: {  	[smem:$0x3FB5] =	sst s10  }
0x38: {  	s10 =	sld [smem:$0x3FB6]  }
0x39: {  	_ = 	snop;
	(pc) =	sbr.ind lr, $3  }
0x3a: {  	_ = 	snop  }
0x3b: {  	_ = 	snop  }
0x3c: {  	p2 =	seq.s32 s10, $0x1;
	s10 =	sld [smem:$0x3FB5]  }
0x3d: {  	_ =	shalt  }
0x3e: {  	_ =	shalt  }
0x3f: {  	_ =	shalt  }
0x40: {  	_ =	shalt  }
0x41: {  	_ =	shalt  }
0x42: {  	_ =	shalt  }
0x43: {  	_ =	shalt  }
0x44: {  	_ =	shalt  }
0x45: {  	_ =	shalt  }
0x46: {  	_ =	shalt  }
0x47: {  	_ =	shalt  }
0x48: {  	_ =	shalt  }
0x49: {  	_ =	shalt  }
0x4a: {  	_ =	shalt  }
0x4b: {  	_ =	shalt  }
0x4c: {  	_ =	shalt  }
0x4d: {  	_ =	shalt  }
0x4e: {  	_ =	shalt  }
0x4f: {  	_ =	shalt  }
0x50: {  	_ =	shalt  }
0x51: {  	_ =	shalt  }
0x52: {  	_ =	shalt  }
0x53: {  	_ =	shalt  }
0x54: {  	_ =	shalt  }
0x55: {  	_ =	shalt  }
0x56: {  	_ =	shalt  }
0x57: {  	_ =	shalt  }
0x58: {  	_ =	shalt  }
0x59: {  	_ =	shalt  }
0x5a: {  	_ =	shalt  }
0x5b: {  	_ =	shalt  }
0x5c: {  	_ =	shalt  }
0x5d: {  	_ =	shalt  }
0x5e: {  	_ =	shalt  }
0x5f: {  	_ =	shalt  }
0x60: {  	_ =	shalt  }
0x61: {  	_ =	shalt  }
0x62: {  	_ =	shalt  }
0x63: {  	_ =	shalt  }
0x64: {  	_ =	shalt  }
0x65: {  	_ =	shalt  }
0x66: {  	_ =	shalt  }
0x67: {  	_ =	shalt  }
0x68: {  	_ =	shalt  }
0x69: {  	_ =	shalt  }
0x6a: {  	_ =	shalt  }
0x6b: {  	_ =	shalt  }
0x6c: {  	_ =	shalt  }
0x6d: {  	_ =	shalt  }
0x6e: {  	_ =	shalt  }
0x6f: {  	_ =	shalt  }
0x70: {  	_ =	shalt  }
0x71: {  	_ =	shalt  }
0x72: {  	_ =	shalt  }
0x73: {  	_ =	shalt  }
0x74: {  	_ =	shalt  }
0x75: {  	_ =	shalt  }
0x76: {  	_ =	shalt  }
0x77: {  	_ =	shalt  }
0x78: {  	_ =	shalt  }
0x79: {  	_ =	shalt  }
0x7a: {  	_ =	shalt  }
0x7b: {  	_ =	shalt  }
0x7c: {  	_ =	shalt  }
0x7d: {  	_ =	shalt  }
0x7e: {  	_ =	shalt  }
0x7f: {  	_ =	shalt  }
0x80: {  	_ =	shalt  }
0x81: {  	_ =	shalt  }
0x82: {  	_ =	shalt  }
0x83: {  	_ =	shalt  }
0x84: {  	_ =	shalt  }
0x85: {  	_ =	shalt  }
0x86: {  	_ =	shalt  }
0x87: {  	_ =	shalt  }
.Lfunc_end0:
.L_simem_size_0:
called_computation.2_lowered:
.L_overlay_start_0:
0x88: {  	s2 =	sld [smem:$0x3FD9]  }
0x89: {  	s3 =	sld [smem:$0x3FFE];
	_ =	sdelay $0x1  }
0x8a: {  	s1 =	srdreg.scid  }
0x8b: {  	s0 =	sand.u32 $0x1, s1  }
0x8c: {  	s17 =	sshll.u32 s0, $0xA;
	s2 =	sadd.s32 s3, s2  }
0x8d: {  	s2 =	sadd.s32 s2, s17  }
0x8e: {  	[smem:$0x3FC1] =	sst s2  }
0x8f: {  	_ = 	snop  }
0x90: {  	s2 =	sld [smem:$0x3FD0];
	(tm) =	ssettm $0x1  }
0x91: {  	s18 =	sld [smem:$0x3FFB];
	_ =	sdelay $0x3  }
0x92: {  	_ =	strace s18  }
0x93: {  	s3 =	sld [smem:$0x3FFC];
	_ =	sdelay $0x3  }
0x94: {  	_ =	strace s3  }
0x95: {  	s3 =	sld [smem:$0x3FFD];
	_ =	sdelay $0x3  }
0x96: {  	_ =	strace s3  }
0x97: {  	_ =	strace $0x8FFFFFFF  }
0x98: {  	s19 =	sld [smem:$0x3FDB];
	_ =	sdelay $0x1  }
0x99: {  	s4 =	simm.s32 $_scs_section_size  }
0x9a: {  	s5 =	simm.s32 $_size__tile_overlayer_lowered;
	s6 =	simm.s32 $_tile_overlayer_lowered  }
0x9b: {  	s22 =	simm.s32 $0x1BFF;
	s21 =	sshll.u32 s6, $0x1;
	s3 =	sadd.s32 s4, s19  }
0x9c: {  	s7 =	simm.s32 $0x0;
	s20 =	sshll.u32 s5, $0x1;
	s5 =	sadd.s32 s21, s3  }
0x9d: {  	[timem:s7], [sflag:s22] =	dma.local [hbm:s5], s20  }
0x9e: {  	_ =	swait.ge [sflag:s22], s20  }
0x9f: {  	s4 =	ssub.s32 $0x0, s20;
	[sflag:s22] =	ssyncset.done $0x0  }
0xa0: {  	[sflag:s22] =	ssyncadd.s32 s4;
	_ =	sdelay $0x1  }
0xa1: {  	s23 =	simm.s32 $0x1B8B  }
0xa2: {  	_ =	swait.ge [sflag:s23], $0x1  }
0xa3: {  	[sflag:s23] =	ssyncset.done $0x0  }
0xa4: {  	s25 =	simm.s32 $0x1B8E;
	s24 =	sld [smem:$0x3FFE];
	[sflag:s23] =	ssyncadd.s32 $0xFFFFFFFF  }
0xa5: {  	s26 =	simm.s32 $execute0_lowered;
	[smem:$0x3FD2] =	sst s25  }
0xa6: {  	s5 =	sshll.u32 s26, $0x1;
	_ =	strace $0x8000004C;
	[dreg:$0x1] =	wrdreg $0xFFFFFFFF  }
0xa7: {  	s28 =	simm.s32 $_size_execute0_lowered;
	s3 =	sadd.s32 s3, s5;
	[dreg:$0x0] =	wrdreg $0x0  }
0xa8: {  	s5 =	sshll.u32 s28, $0x1;
	[dreg:$0x2] =	wrdreg s3  }
0xa9: {  	[dreg:$0x3] =	wrdreg s5  }
0xaa: {  	[dreg:$0x4] =	wrdreg $0xC0  }
0xab: {  	_ =	task [dreg:s7], $0x5FFFF  }
0xac: {  	[dreg:$0x1] =	wrdreg $0xFFFFFFFF  }
0xad: {  	[dreg:$0x0] =	wrdreg $0x60  }
0xae: {  	[dreg:$0x2] =	wrdreg s24  }
0xaf: {  	[dreg:$0x3] =	wrdreg s2  }
0xb0: {  	[dreg:$0x4] =	wrdreg $0x9  }
0xb1: {  	_ =	task.clear_ibuf [dreg:s7], $0x5FFFF;
	_ =	strace $0x9000004C  }
0xb2: {  	s29 =	simm.s32 $0x9;
	_ =	strace $0x8000004E  }
0xb3: {  	_ =	swait.ge [sflag:s29], $0x1  }
0xb4: {  	[sflag:s29] =	ssyncadd.s32 $0xFFFFFFFF  }
0xb5: {  	_ =	strace $0x9000004E  }
0xb6: {  	_ =	sfence  }
0xb7: {  	s30 =	sld [smem:$0x0];
	_ =	sdelay $0x2  }
0xb8: {  	s31 =	sshll.u32 s1, $0xD;
	s1 =	sshrl.u32 s1, $0x2  }
0xb9: {  	s3 =	sand.u32 $0x4000, s31;
	s1 =	sadd.s32 s1, s30  }
0xba: {  	s0 =	sor.u32 s3, s0;
	s1 =	sshll.u32 s1, $0x11  }
0xbb: {  	s0 =	sor.u32 s1, s0  }
0xbc: {  	s0 =	sadd.s32 $0x8F2B, s0  }
0xbd: {  	[sflag:s0] =	ssyncadd.remote.s32 $0x1  }
0xbe: {  	_ =	sfence.sel $0xFFFF  }
0xbf: {  	[dreg:$0x0] =	wrdreg $0xFFFFFFFF;
	(pc) =	sbr.abs _section_cstart, $3  }
0xc0: {  	[dreg:$0x1] =	wrdreg $0xFFFFFFFF  }
0xc1: {  	_ =	task.clear_ibuf [dreg:s7], $0x2FFFF;
	_ =	strace $0x9FFFFFFF  }
0xc2: {  	(tm) =	ssettm $0x7FFFFFFF  }
0xc3: {  	_ =	shalt  }
tec
execute0_lowered:
.L_overlay_start_1:
0x0: {  	(tag) =	ssettag $0x1  }
0x1: {  	s0 =	rddreg [dreg:$0x0]  }
0x2: {  	s1 =	rddreg [dreg:$0x1]  }
0x3: {  	s2 =	simm.s32 $0x0;
	s3 =	srdreg.scid;
	s5 =	stileid.u32  }
0x4: {  	s10 =	simm.s32 $0x3;
	s12 =	simm.s32 $0x100;
	s26 =	simm.s32 $0x11900  }
0x5: {  	s28 =	simm.s32 $0x12100;
	s29 =	simm.s32 $0x12900;
	s30 =	simm.s32 $0x13100  }
0x6: {  	s31 =	simm.s32 $0x13900;
	s11 =	simm.s32 $0x15100;
	s13 =	simm.s32 $0x15900  }
0x7: {  	s14 =	simm.s32 $0x16100;
	s15 =	simm.s32 $0x16900;
	s16 =	simm.s32 $0x17100  }
0x8: {  	s17 =	simm.s32 $0x17900;
	s18 =	simm.s32 $0x1;
	s19 =	simm.s32 $0x2  }
0x9: {  	s20 =	simm.s32 $0x0;
	[smem:$0x7FF] =	sst s2;
	s4 =	sand.u32 $0x1, s3  }
0xa: {  	s5 =	sshll.u32 s5, $0x4;
	s3 =	sadd.s32 $0xC00, s0;
	s6 =	sshll.u32 s4, $0x3  }
0xb: {  	_ =	strace $0x8000004D;
	s4 =	ssub.s32 $0x2, s4;
	s5 =	sor.u32 s6, s5  }
0xc: {  	s7 =	sshrl.u32 s4, $0x1;
	s6 =	sadd.s32 s5, s0;
	s8 =	smul.u32 $0x300, s5  }
0xd: {  	v2 =	vlaneseq.u32;
	s9 =	ssub.s32 s4, s7;
	s7 =	sadd.s32 $0xE00, s0;
	s4 =	sadd.s32 $0x800, s6  }
0xe: {  	vm0 =	vmmov $0xffff;
	v1 =	vshrl.u32 v2, $0x3;
	s5 =	sadd.s32 $0xA00, s6;
	s6 =	sadd.s32 $0xD00, s0;
	s9 =	smax.u32 s9, $0x1  }
0xf: {  	v0 =	vand.u32 $0x7, v2;
	v2 =	vor.u32 $0x8, v2;
	v1 =	vmul.u32 $0x8, v1;
	s0 =	simm.s32 $0x14100;
	s8 =	sadd.s32 s1, s8;
	s1 =	simm.s32 $0x14900  }
.LBB2_1:
0x10: {  	[tilespmem:s2], [sflag:$0x3] =	stream.linear.gather [hbm4b:s4+s2], $0x40, $0x38;
	[tilespmem:$0x18100] =	vst v63  }
0x11: {  	_ =	swait.ge [sflag:s10], $0x40  }
0x12: {  	[sflag:s10] =	ssyncset.done $0x0  }
0x13: {  	s21 =	simm.s32 $0x80;
	[sflag:s10] =	ssyncadd.s32 $0xFFFFFFC0  }
0x14: {  	[tilespmem:s21], [sflag:$0x3] =	stream.linear.gather [hbm4b:s5+s2], $0x40, $0x38;
	[tilespmem:$0x18100] =	vst v63  }
0x15: {  	_ =	swait.ge [sflag:s10], $0x40  }
0x16: {  	[sflag:s10] =	ssyncset.done $0x0  }
0x17: {  	[sflag:s10] =	ssyncadd.s32 $0xFFFFFFC0  }
0x18: {  	v3 =	vld [tilespmem:$0x0];
	_ =	sdelay $0x4  }
0x19: {  	v4 =	vshrl.u32 v3, $0x3  }
0x1a: {  	v4 =	vmul.u32 $0x30, v4  }
0x1b: {  	v3 =	vand.u32 $0x7, v3  }
0x1c: {  	v3 =	vor.u32 v3, v4  }
0x1d: {  	v4 =	vperm.xlane v3, v0;
	_ =	sdelay $0x1  }
0x1e: {  	v4 =	vadd.s32 v1, v4;
	_ =	sdelay $0x3  }
0x1f: {  	v3 =	vperm.xlane v3, v2  }
0x20: {  	[tilespmem:s12], [sflag:$0x1] =	stream.indirect_vreg.gather [hbm4b:s3+s2], $0x80, v4, vm0, $0xb8;
	[tilespmem:$0x18100] =	vst v63  }
0x21: {  	s23 =	simm.s32 $0x900;
	v3 =	vadd.s32 v1, v3  }
0x22: {  	[tilespmem:s23], [sflag:$0x1] =	stream.indirect_vreg.gather [hbm4b:s6+s2], $0x80, v4, vm0, $0xb8;
	[tilespmem:$0x18100] =	vst v63  }
0x23: {  	s24 =	simm.s32 $0x1100  }
0x24: {  	[tilespmem:s24], [sflag:$0x1] =	stream.indirect_vreg.gather [hbm4b:s7+s2], $0x80, v4, vm0, $0xb8;
	[tilespmem:$0x18100] =	vst v63  }
0x25: {  	s25 =	simm.s32 $0x1900  }
0x26: {  	[tilespmem:s25], [sflag:$0x1] =	stream.indirect_vreg.gather [hbm4b:s3+s2], $0x80, v3, vm0, $0xb8;
	[tilespmem:$0x18100] =	vst v63  }
0x27: {  	s22 =	simm.s32 $0x2100  }
0x28: {  	[tilespmem:s22], [sflag:$0x1] =	stream.indirect_vreg.gather [hbm4b:s6+s2], $0x80, v3, vm0, $0xb8;
	[tilespmem:$0x18100] =	vst v63  }
0x29: {  	s23 =	simm.s32 $0x2900  }
0x2a: {  	[tilespmem:s23], [sflag:$0x1] =	stream.indirect_vreg.gather [hbm4b:s7+s2], $0x80, v3, vm0, $0xb8;
	[tilespmem:$0x18100] =	vst v63  }
0x2b: {  	v3 =	vld [tilespmem:$0x10];
	_ =	sdelay $0x4  }
0x2c: {  	v4 =	vshrl.u32 v3, $0x3  }
0x2d: {  	v4 =	vmul.u32 $0x30, v4  }
0x2e: {  	v3 =	vand.u32 $0x7, v3  }
0x2f: {  	v3 =	vor.u32 v3, v4  }
0x30: {  	v4 =	vperm.xlane v3, v0;
	_ =	sdelay $0x1  }
0x31: {  	v4 =	vadd.s32 v1, v4;
	_ =	sdelay $0x3  }
0x32: {  	s24 =	simm.s32 $0x3100;
	v3 =	vperm.xlane v3, v2  }
0x33: {  	[tilespmem:s24], [sflag:$0x1] =	stream.indirect_vreg.gather [hbm4b:s3+s2], $0x80, v4, vm0, $0xb8;
	[tilespmem:$0x18100] =	vst v63  }
0x34: {  	s25 =	simm.s32 $0x3900;
	v3 =	vadd.s32 v1, v3  }
0x35: {  	[tilespmem:s25], [sflag:$0x1] =	stream.indirect_vreg.gather [hbm4b:s6+s2], $0x80, v4, vm0, $0xb8;
	[tilespmem:$0x18100] =	vst v63  }
0x36: {  	s22 =	simm.s32 $0x4100  }
0x37: {  	[tilespmem:s22], [sflag:$0x1] =	stream.indirect_vreg.gather [hbm4b:s7+s2], $0x80, v4, vm0, $0xb8;
	[tilespmem:$0x18100] =	vst v63  }
0x38: {  	s23 =	simm.s32 $0x4900  }
0x39: {  	[tilespmem:s23], [sflag:$0x1] =	stream.indirect_vreg.gather [hbm4b:s3+s2], $0x80, v3, vm0, $0xb8;
	[tilespmem:$0x18100] =	vst v63  }
0x3a: {  	s24 =	simm.s32 $0x5100  }
0x3b: {  	[tilespmem:s24], [sflag:$0x1] =	stream.indirect_vreg.gather [hbm4b:s6+s2], $0x80, v3, vm0, $0xb8;
	[tilespmem:$0x18100] =	vst v63  }
0x3c: {  	s25 =	simm.s32 $0x5900  }
0x3d: {  	[tilespmem:s25], [sflag:$0x1] =	stream.indirect_vreg.gather [hbm4b:s7+s2], $0x80, v3, vm0, $0xb8;
	[tilespmem:$0x18100] =	vst v63  }
0x3e: {  	v3 =	vld [tilespmem:$0x20];
	_ =	sdelay $0x4  }
0x3f: {  	v4 =	vshrl.u32 v3, $0x3  }
0x40: {  	v4 =	vmul.u32 $0x30, v4  }
0x41: {  	v3 =	vand.u32 $0x7, v3  }
0x42: {  	v3 =	vor.u32 v3, v4  }
0x43: {  	v4 =	vperm.xlane v3, v0;
	_ =	sdelay $0x1  }
0x44: {  	v4 =	vadd.s32 v1, v4;
	_ =	sdelay $0x3  }
0x45: {  	s22 =	simm.s32 $0x6100;
	v3 =	vperm.xlane v3, v2  }
0x46: {  	[tilespmem:s22], [sflag:$0x1] =	stream.indirect_vreg.gather [hbm4b:s3+s2], $0x80, v4, vm0, $0xb8;
	[tilespmem:$0x18100] =	vst v63  }
0x47: {  	s23 =	simm.s32 $0x6900;
	v3 =	vadd.s32 v1, v3  }
0x48: {  	[tilespmem:s23], [sflag:$0x1] =	stream.indirect_vreg.gather [hbm4b:s6+s2], $0x80, v4, vm0, $0xb8;
	[tilespmem:$0x18100] =	vst v63  }
0x49: {  	s24 =	simm.s32 $0x7100  }
0x4a: {  	[tilespmem:s24], [sflag:$0x1] =	stream.indirect_vreg.gather [hbm4b:s7+s2], $0x80, v4, vm0, $0xb8;
	[tilespmem:$0x18100] =	vst v63  }
0x4b: {  	s25 =	simm.s32 $0x7900  }
0x4c: {  	[tilespmem:s25], [sflag:$0x1] =	stream.indirect_vreg.gather [hbm4b:s3+s2], $0x80, v3, vm0, $0xb8;
	[tilespmem:$0x18100] =	vst v63  }
0x4d: {  	s22 =	simm.s32 $0x8100  }
0x4e: {  	[tilespmem:s22], [sflag:$0x1] =	stream.indirect_vreg.gather [hbm4b:s6+s2], $0x80, v3, vm0, $0xb8;
	[tilespmem:$0x18100] =	vst v63  }
0x4f: {  	s23 =	simm.s32 $0x8900  }
0x50: {  	[tilespmem:s23], [sflag:$0x1] =	stream.indirect_vreg.gather [hbm4b:s7+s2], $0x80, v3, vm0, $0xb8;
	[tilespmem:$0x18100] =	vst v63  }
0x51: {  	v3 =	vld [tilespmem:$0x30];
	_ =	sdelay $0x4  }
0x52: {  	v4 =	vshrl.u32 v3, $0x3  }
0x53: {  	v4 =	vmul.u32 $0x30, v4  }
0x54: {  	v3 =	vand.u32 $0x7, v3  }
0x55: {  	v3 =	vor.u32 v3, v4  }
0x56: {  	v4 =	vperm.xlane v3, v0;
	_ =	sdelay $0x1  }
0x57: {  	v4 =	vadd.s32 v1, v4;
	_ =	sdelay $0x3  }
0x58: {  	s24 =	simm.s32 $0x9100;
	v3 =	vperm.xlane v3, v2  }
0x59: {  	[tilespmem:s24], [sflag:$0x1] =	stream.indirect_vreg.gather [hbm4b:s3+s2], $0x80, v4, vm0, $0xb8;
	[tilespmem:$0x18100] =	vst v63  }
0x5a: {  	s25 =	simm.s32 $0x9900;
	v3 =	vadd.s32 v1, v3  }
0x5b: {  	[tilespmem:s25], [sflag:$0x1] =	stream.indirect_vreg.gather [hbm4b:s6+s2], $0x80, v4, vm0, $0xb8;
	[tilespmem:$0x18100] =	vst v63  }
0x5c: {  	s22 =	simm.s32 $0xA100  }
0x5d: {  	[tilespmem:s22], [sflag:$0x1] =	stream.indirect_vreg.gather [hbm4b:s7+s2], $0x80, v4, vm0, $0xb8;
	[tilespmem:$0x18100] =	vst v63  }
0x5e: {  	s23 =	simm.s32 $0xA900  }
0x5f: {  	[tilespmem:s23], [sflag:$0x1] =	stream.indirect_vreg.gather [hbm4b:s3+s2], $0x80, v3, vm0, $0xb8;
	[tilespmem:$0x18100] =	vst v63  }
0x60: {  	s24 =	simm.s32 $0xB100  }
0x61: {  	[tilespmem:s24], [sflag:$0x1] =	stream.indirect_vreg.gather [hbm4b:s6+s2], $0x80, v3, vm0, $0xb8;
	[tilespmem:$0x18100] =	vst v63  }
0x62: {  	s25 =	simm.s32 $0xB900  }
0x63: {  	[tilespmem:s25], [sflag:$0x1] =	stream.indirect_vreg.gather [hbm4b:s7+s2], $0x80, v3, vm0, $0xb8;
	[tilespmem:$0x18100] =	vst v63  }
0x64: {  	v3 =	vld [tilespmem:$0x80];
	_ =	sdelay $0x4  }
0x65: {  	v4 =	vshrl.u32 v3, $0x3  }
0x66: {  	v4 =	vmul.u32 $0x30, v4  }
0x67: {  	v3 =	vand.u32 $0x7, v3  }
0x68: {  	v3 =	vor.u32 v3, v4  }
0x69: {  	v4 =	vperm.xlane v3, v0;
	_ =	sdelay $0x1  }
0x6a: {  	v4 =	vadd.s32 v1, v4;
	_ =	sdelay $0x3  }
0x6b: {  	s22 =	simm.s32 $0xC100;
	v3 =	vperm.xlane v3, v2  }
0x6c: {  	[tilespmem:s22], [sflag:$0x2] =	stream.indirect_vreg.gather [hbm4b:s3+s2], $0x80, v4, vm0, $0xb8;
	[tilespmem:$0x18100] =	vst v63  }
0x6d: {  	s23 =	simm.s32 $0xC900;
	v3 =	vadd.s32 v1, v3  }
0x6e: {  	[tilespmem:s23], [sflag:$0x2] =	stream.indirect_vreg.gather [hbm4b:s6+s2], $0x80, v4, vm0, $0xb8;
	[tilespmem:$0x18100] =	vst v63  }
0x6f: {  	s24 =	simm.s32 $0xD100  }
0x70: {  	[tilespmem:s24], [sflag:$0x2] =	stream.indirect_vreg.gather [hbm4b:s7+s2], $0x80, v4, vm0, $0xb8;
	[tilespmem:$0x18100] =	vst v63  }
0x71: {  	s25 =	simm.s32 $0xD900  }
0x72: {  	[tilespmem:s25], [sflag:$0x2] =	stream.indirect_vreg.gather [hbm4b:s3+s2], $0x80, v3, vm0, $0xb8;
	[tilespmem:$0x18100] =	vst v63  }
0x73: {  	s22 =	simm.s32 $0xE100  }
0x74: {  	[tilespmem:s22], [sflag:$0x2] =	stream.indirect_vreg.gather [hbm4b:s6+s2], $0x80, v3, vm0, $0xb8;
	[tilespmem:$0x18100] =	vst v63  }
0x75: {  	s23 =	simm.s32 $0xE900  }
0x76: {  	[tilespmem:s23], [sflag:$0x2] =	stream.indirect_vreg.gather [hbm4b:s7+s2], $0x80, v3, vm0, $0xb8;
	[tilespmem:$0x18100] =	vst v63  }
0x77: {  	v3 =	vld [tilespmem:$0x90];
	_ =	sdelay $0x4  }
0x78: {  	v4 =	vshrl.u32 v3, $0x3  }
0x79: {  	v4 =	vmul.u32 $0x30, v4  }
0x7a: {  	v3 =	vand.u32 $0x7, v3  }
0x7b: {  	v3 =	vor.u32 v3, v4  }
0x7c: {  	v4 =	vperm.xlane v3, v0;
	_ =	sdelay $0x1  }
0x7d: {  	v4 =	vadd.s32 v1, v4;
	_ =	sdelay $0x3  }
0x7e: {  	s24 =	simm.s32 $0xF100;
	v3 =	vperm.xlane v3, v2  }
0x7f: {  	[tilespmem:s24], [sflag:$0x2] =	stream.indirect_vreg.gather [hbm4b:s3+s2], $0x80, v4, vm0, $0xb8;
	[tilespmem:$0x18100] =	vst v63  }
0x80: {  	s25 =	simm.s32 $0xF900;
	v3 =	vadd.s32 v1, v3  }
0x81: {  	[tilespmem:s25], [sflag:$0x2] =	stream.indirect_vreg.gather [hbm4b:s6+s2], $0x80, v4, vm0, $0xb8;
	[tilespmem:$0x18100] =	vst v63  }
0x82: {  	s22 =	simm.s32 $0x10100  }
0x83: {  	[tilespmem:s22], [sflag:$0x2] =	stream.indirect_vreg.gather [hbm4b:s7+s2], $0x80, v4, vm0, $0xb8;
	[tilespmem:$0x18100] =	vst v63  }
0x84: {  	s23 =	simm.s32 $0x10900  }
0x85: {  	[tilespmem:s23], [sflag:$0x2] =	stream.indirect_vreg.gather [hbm4b:s3+s2], $0x80, v3, vm0, $0xb8;
	[tilespmem:$0x18100] =	vst v63  }
0x86: {  	s24 =	simm.s32 $0x11100  }
0x87: {  	[tilespmem:s24], [sflag:$0x2] =	stream.indirect_vreg.gather [hbm4b:s6+s2], $0x80, v3, vm0, $0xb8;
	[tilespmem:$0x18100] =	vst v63  }
0x88: {  	_ = 	snop  }
0x89: {  	[tilespmem:s26], [sflag:$0x2] =	stream.indirect_vreg.gather [hbm4b:s7+s2], $0x80, v3, vm0, $0xb8;
	[tilespmem:$0x18100] =	vst v63  }
0x8a: {  	v3 =	vld [tilespmem:$0xA0];
	_ =	sdelay $0x4  }
0x8b: {  	v4 =	vshrl.u32 v3, $0x3  }
0x8c: {  	v4 =	vmul.u32 $0x30, v4  }
0x8d: {  	v3 =	vand.u32 $0x7, v3  }
0x8e: {  	v3 =	vor.u32 v3, v4  }
0x8f: {  	v4 =	vperm.xlane v3, v0;
	_ =	sdelay $0x1  }
0x90: {  	v4 =	vadd.s32 v1, v4;
	_ =	sdelay $0x3  }
0x91: {  	v3 =	vperm.xlane v3, v2  }
0x92: {  	[tilespmem:s28], [sflag:$0x2] =	stream.indirect_vreg.gather [hbm4b:s3+s2], $0x80, v4, vm0, $0xb8;
	[tilespmem:$0x18100] =	vst v63  }
0x93: {  	v3 =	vadd.s32 v1, v3  }
0x94: {  	[tilespmem:s29], [sflag:$0x2] =	stream.indirect_vreg.gather [hbm4b:s6+s2], $0x80, v4, vm0, $0xb8;
	[tilespmem:$0x18100] =	vst v63  }
0x95: {  	_ = 	snop  }
0x96: {  	[tilespmem:s30], [sflag:$0x2] =	stream.indirect_vreg.gather [hbm4b:s7+s2], $0x80, v4, vm0, $0xb8;
	[tilespmem:$0x18100] =	vst v63  }
0x97: {  	_ = 	snop  }
0x98: {  	[tilespmem:s31], [sflag:$0x2] =	stream.indirect_vreg.gather [hbm4b:s3+s2], $0x80, v3, vm0, $0xb8;
	[tilespmem:$0x18100] =	vst v63  }
0x99: {  	_ = 	snop  }
0x9a: {  	[tilespmem:s0], [sflag:$0x2] =	stream.indirect_vreg.gather [hbm4b:s6+s2], $0x80, v3, vm0, $0xb8;
	[tilespmem:$0x18100] =	vst v63  }
0x9b: {  	_ = 	snop  }
0x9c: {  	[tilespmem:s1], [sflag:$0x2] =	stream.indirect_vreg.gather [hbm4b:s7+s2], $0x80, v3, vm0, $0xb8;
	[tilespmem:$0x18100] =	vst v63  }
0x9d: {  	v3 =	vld [tilespmem:$0xB0];
	_ =	sdelay $0x4  }
0x9e: {  	v4 =	vshrl.u32 v3, $0x3  }
0x9f: {  	v4 =	vmul.u32 $0x30, v4  }
0xa0: {  	v3 =	vand.u32 $0x7, v3  }
0xa1: {  	v3 =	vor.u32 v3, v4  }
0xa2: {  	v4 =	vperm.xlane v3, v0;
	_ =	sdelay $0x1  }
0xa3: {  	v4 =	vadd.s32 v1, v4;
	_ =	sdelay $0x3  }
0xa4: {  	v3 =	vperm.xlane v3, v2  }
0xa5: {  	[tilespmem:s11], [sflag:$0x2] =	stream.indirect_vreg.gather [hbm4b:s3+s2], $0x80, v4, vm0, $0xb8;
	[tilespmem:$0x18100] =	vst v63  }
0xa6: {  	v3 =	vadd.s32 v1, v3  }
0xa7: {  	[tilespmem:s13], [sflag:$0x2] =	stream.indirect_vreg.gather [hbm4b:s6+s2], $0x80, v4, vm0, $0xb8;
	[tilespmem:$0x18100] =	vst v63  }
0xa8: {  	_ = 	snop  }
0xa9: {  	[tilespmem:s14], [sflag:$0x2] =	stream.indirect_vreg.gather [hbm4b:s7+s2], $0x80, v4, vm0, $0xb8;
	[tilespmem:$0x18100] =	vst v63  }
0xaa: {  	_ = 	snop  }
0xab: {  	[tilespmem:s15], [sflag:$0x2] =	stream.indirect_vreg.gather [hbm4b:s3+s2], $0x80, v3, vm0, $0xb8;
	[tilespmem:$0x18100] =	vst v63  }
0xac: {  	_ = 	snop  }
0xad: {  	[tilespmem:s16], [sflag:$0x2] =	stream.indirect_vreg.gather [hbm4b:s6+s2], $0x80, v3, vm0, $0xb8;
	[tilespmem:$0x18100] =	vst v63  }
0xae: {  	_ = 	snop  }
0xaf: {  	[tilespmem:s17], [sflag:$0x2] =	stream.indirect_vreg.gather [hbm4b:s7+s2], $0x80, v3, vm0, $0xb8;
	[tilespmem:$0x18100] =	vst v63  }
0xb0: {  	_ =	swait.ge [sflag:s18], $0xC000  }
0xb1: {  	[sflag:s18] =	ssyncset.done $0x0  }
0xb2: {  	s25 =	simm.s32 $0x0;
	[sflag:s18] =	ssyncadd.s32 $0xFFFF4000  }
0xb3: {  	s21 =	smul.u32 $0x1800, s25;
	_ =	swait.ge [sflag:s19], $0xC000  }
0xb4: {  	s22 =	sand.u32 $0x380, s2;
	[sflag:s19] =	ssyncset.done $0x0  }
0xb5: {  	s21 =	sor.u32 s22, s21;
	[sflag:s19] =	ssyncadd.s32 $0xFFFF4000  }
0xb6: {  	v12 =	vld [tilespmem:s21+$0xC100]  }
0xb7: {  	v13 =	vld [tilespmem:s21+$0xC110]  }
0xb8: {  	v14 =	vld [tilespmem:s21+$0xC120]  }
0xb9: {  	v15 =	vld [tilespmem:s21+$0xC130]  }
0xba: {  	v16 =	vld [tilespmem:s21+$0xC140]  }
0xbb: {  	v17 =	vld [tilespmem:s21+$0xC150]  }
0xbc: {  	v18 =	vld [tilespmem:s21+$0xC160]  }
0xbd: {  	v19 =	vld [tilespmem:s21+$0xC170]  }
0xbe: {  	v20 =	vld [tilespmem:s21+$0xC500]  }
0xbf: {  	v21 =	vld [tilespmem:s21+$0xC510]  }
0xc0: {  	v22 =	vld [tilespmem:s21+$0xC520]  }
0xc1: {  	v23 =	vld [tilespmem:s21+$0xC530]  }
0xc2: {  	v24 =	vld [tilespmem:s21+$0xC540]  }
0xc3: {  	v25 =	vld [tilespmem:s21+$0xC550]  }
0xc4: {  	v26 =	vld [tilespmem:s21+$0xC560]  }
0xc5: {  	v27 =	vld [tilespmem:s21+$0xC570]  }
0xc6: {  	v28 =	vld [tilespmem:s21+$0xC900]  }
0xc7: {  	v29 =	vld [tilespmem:s21+$0xC910]  }
0xc8: {  	v30 =	vld [tilespmem:s21+$0xC920]  }
0xc9: {  	v31 =	vld [tilespmem:s21+$0xC930]  }
0xca: {  	v32 =	vld [tilespmem:s21+$0xC940]  }
0xcb: {  	v33 =	vld [tilespmem:s21+$0xC950]  }
0xcc: {  	v34 =	vld [tilespmem:s21+$0xC960]  }
0xcd: {  	v35 =	vld [tilespmem:s21+$0xC970]  }
0xce: {  	v36 =	vld [tilespmem:s21+$0xCD00]  }
0xcf: {  	v37 =	vld [tilespmem:s21+$0xCD10]  }
0xd0: {  	v38 =	vld [tilespmem:s21+$0xCD20]  }
0xd1: {  	v39 =	vld [tilespmem:s21+$0xCD30]  }
0xd2: {  	v40 =	vld [tilespmem:s21+$0xCD40]  }
0xd3: {  	v41 =	vld [tilespmem:s21+$0xCD50]  }
0xd4: {  	v42 =	vld [tilespmem:s21+$0xCD60]  }
0xd5: {  	v43 =	vld [tilespmem:s21+$0xCD70]  }
0xd6: {  	v44 =	vld [tilespmem:s21+$0xD100]  }
0xd7: {  	v45 =	vld [tilespmem:s21+$0xD110]  }
0xd8: {  	v46 =	vld [tilespmem:s21+$0xD120]  }
0xd9: {  	v47 =	vld [tilespmem:s21+$0xD130]  }
0xda: {  	v48 =	vld [tilespmem:s21+$0xD140]  }
0xdb: {  	v49 =	vld [tilespmem:s21+$0xD150]  }
0xdc: {  	v50 =	vld [tilespmem:s21+$0xD160]  }
0xdd: {  	v11 =	vld [tilespmem:s21+$0xD170]  }
0xde: {  	v10 =	vld [tilespmem:s21+$0xD500]  }
0xdf: {  	v9 =	vld [tilespmem:s21+$0xD510]  }
0xe0: {  	v8 =	vld [tilespmem:s21+$0xD520]  }
0xe1: {  	v7 =	vld [tilespmem:s21+$0xD530]  }
0xe2: {  	v6 =	vld [tilespmem:s21+$0xD540]  }
0xe3: {  	v51 =	vld [tilespmem:s21+$0x100]  }
0xe4: {  	v52 =	vld [tilespmem:s21+$0x110]  }
0xe5: {  	v53 =	vld [tilespmem:s21+$0x120]  }
0xe6: {  	v54 =	vld [tilespmem:s21+$0x130]  }
0xe7: {  	v55 =	vld [tilespmem:s21+$0x140]  }
0xe8: {  	v62 =	vld [tilespmem:s21+$0x150];
	v12 =	vadd.f32 v12, v51  }
0xe9: {  	v63 =	vld [tilespmem:s21+$0x160];
	v13 =	vadd.f32 v13, v52  }
0xea: {  	[tilespmem:s21+$0x100] =	vst v12;
	v12 =	vadd.f32 v14, v53;
	v14 =	vld [tilespmem:s21+$0x170]  }
0xeb: {  	[tilespmem:s21+$0x110] =	vst v13;
	v13 =	vadd.f32 v15, v54;
	v15 =	vld [tilespmem:s21+$0x500]  }
0xec: {  	[tilespmem:s21+$0x120] =	vst v12;
	v12 =	vadd.f32 v16, v55;
	v16 =	vld [tilespmem:s21+$0x510]  }
0xed: {  	[tilespmem:s21+$0x130] =	vst v13;
	v13 =	vadd.f32 v17, v62;
	v17 =	vld [tilespmem:s21+$0x520]  }
0xee: {  	v5 =	vld [tilespmem:s21+$0xD550]  }
0xef: {  	[tilespmem:s21+$0x140] =	vst v12;
	v12 =	vadd.f32 v18, v63;
	v18 =	vld [tilespmem:s21+$0x570]  }
0xf0: {  	[tilespmem:s21+$0x150] =	vst v13;
	v13 =	vadd.f32 v19, v14;
	v14 =	vld [tilespmem:s21+$0x530]  }
0xf1: {  	[tilespmem:s21+$0x160] =	vst v12;
	v12 =	vadd.f32 v20, v15;
	v15 =	vld [tilespmem:s21+$0x540]  }
0xf2: {  	[tilespmem:s21+$0x170] =	vst v13;
	v13 =	vadd.f32 v21, v16;
	v16 =	vadd.f32 v22, v17;
	v17 =	vld [tilespmem:s21+$0x560]  }
0xf3: {  	[tilespmem:s21+$0x500] =	vst v12;
	v12 =	vld [tilespmem:s21+$0x550]  }
0xf4: {  	[tilespmem:s21+$0x510] =	vst v13;
	v13 =	vld [tilespmem:s21+$0x900];
	v18 =	vadd.f32 v27, v18  }
0xf5: {  	[tilespmem:s21+$0x520] =	vst v16;
	v16 =	vld [tilespmem:s21+$0x910];
	v14 =	vadd.f32 v23, v14  }
0xf6: {  	v4 =	vld [tilespmem:s21+$0xD560];
	v15 =	vadd.f32 v24, v15;
	[tilespmem:s21+$0x570] =	vst v18  }
0xf7: {  	[tilespmem:s21+$0x530] =	vst v14;
	v14 =	vld [tilespmem:s21+$0x920];
	v17 =	vadd.f32 v26, v17  }
0xf8: {  	v12 =	vadd.f32 v25, v12;
	[tilespmem:s21+$0x540] =	vst v15;
	v15 =	vld [tilespmem:s21+$0x930]  }
0xf9: {  	v18 =	vld [tilespmem:s21+$0x970];
	[tilespmem:s21+$0x560] =	vst v17;
	v13 =	vadd.f32 v28, v13  }
0xfa: {  	v16 =	vadd.f32 v29, v16;
	[tilespmem:s21+$0x550] =	vst v12;
	v12 =	vld [tilespmem:s21+$0x940]  }
0xfb: {  	v17 =	vld [tilespmem:s21+$0x950];
	[tilespmem:s21+$0x900] =	vst v13  }
0xfc: {  	[tilespmem:s21+$0x910] =	vst v16;
	v16 =	vld [tilespmem:s21+$0x960];
	v13 =	vadd.f32 v30, v14  }
0xfd: {  	v14 =	vld [tilespmem:s21+$0xD00];
	v15 =	vadd.f32 v31, v15  }
0xfe: {  	[tilespmem:s21+$0x920] =	vst v13;
	v13 =	vld [tilespmem:s21+$0xD10]  }
0xff: {  	v12 =	vadd.f32 v32, v12;
	[tilespmem:s21+$0x930] =	vst v15;
	v15 =	vld [tilespmem:s21+$0xD20]  }
0x100: {  	v3 =	vld [tilespmem:s21+$0xD570];
	v17 =	vadd.f32 v33, v17  }
0x101: {  	v16 =	vadd.f32 v34, v16;
	[tilespmem:s21+$0x940] =	vst v12;
	v12 =	vld [tilespmem:s21+$0xD30]  }
0x102: {  	[tilespmem:s21+$0x950] =	vst v17;
	v17 =	vld [tilespmem:s21+$0xD40];
	v14 =	vadd.f32 v36, v14  }
0x103: {  	v18 =	vadd.f32 v35, v18;
	[tilespmem:s21+$0x960] =	vst v16;
	v16 =	vld [tilespmem:s21+$0xD50]  }
0x104: {  	v13 =	vadd.f32 v37, v13;
	[tilespmem:s21+$0xD00] =	vst v14;
	v14 =	vadd.f32 v38, v15;
	v15 =	vld [tilespmem:s21+$0xD60]  }
0x105: {  	[tilespmem:s21+$0x970] =	vst v18;
	v18 =	vld [tilespmem:s21+$0xD70]  }
0x106: {  	[tilespmem:s21+$0xD10] =	vst v13;
	v13 =	vld [tilespmem:s21+$0x1100];
	v12 =	vadd.f32 v39, v12  }
0x107: {  	v17 =	vadd.f32 v40, v17;
	[tilespmem:s21+$0xD20] =	vst v14;
	v14 =	vld [tilespmem:s21+$0x1110]  }
0x108: {  	v16 =	vadd.f32 v41, v16;
	[tilespmem:s21+$0xD30] =	vst v12;
	v12 =	vld [tilespmem:s21+$0x1120]  }
0x109: {  	[tilespmem:s21+$0xD40] =	vst v17;
	v17 =	vld [tilespmem:s21+$0x1130];
	v15 =	vadd.f32 v42, v15  }
0x10a: {  	v19 =	vld [tilespmem:s21+$0x1140];
	[tilespmem:s21+$0xD50] =	vst v16;
	v16 =	vadd.f32 v43, v18  }
0x10b: {  	v18 =	vld [tilespmem:s21+$0x1150];
	v13 =	vadd.f32 v44, v13;
	[tilespmem:s21+$0xD60] =	vst v15  }
0x10c: {  	v20 =	vld [tilespmem:s21+$0x1160];
	[tilespmem:s21+$0xD70] =	vst v16;
	v14 =	vadd.f32 v45, v14  }
0x10d: {  	v16 =	vld [tilespmem:s21+$0x1170];
	[tilespmem:s21+$0x1100] =	vst v13;
	v12 =	vadd.f32 v46, v12  }
0x10e: {  	v15 =	vld [tilespmem:s21+$0x1500];
	v13 =	vadd.f32 v47, v17;
	[tilespmem:s21+$0x1110] =	vst v14  }
0x10f: {  	v14 =	vld [tilespmem:s21+$0x1510];
	[tilespmem:s21+$0x1120] =	vst v12;
	v12 =	vadd.f32 v48, v19  }
0x110: {  	[tilespmem:s21+$0x1130] =	vst v13;
	v13 =	vld [tilespmem:s21+$0x1520];
	v18 =	vadd.f32 v49, v18  }
0x111: {  	s22 =	simm.s32 $0x1;
	s23 =	simm.s32 $0x0;
	v17 =	vadd.f32 v50, v20;
	[tilespmem:s21+$0x1140] =	vst v12;
	v12 =	vld [tilespmem:s21+$0x1530]  }
.LBB2_2:
0x112: {  	s24 =	sshrl.u32 s22, $0x3;
	p0 =	sne.s32 s22, $0x3F;
	[tilespmem:s21+$0x1150] =	vst v18;
	v11 =	vadd.f32 v11, v16;
	v16 =	vld [tilespmem:s21+$0x1540]  }
0x113: {  	s23 =	sadd.s32 $0x80, s23;
	s24 =	smul.u32 $0x1800, s24;
	[tilespmem:s21+$0x1160] =	vst v17;
	v10 =	vadd.f32 v10, v15;
	v15 =	vld [tilespmem:s21+$0x1550]  }
0x114: {  	s25 =	sand.u32 $0x380, s23;
	[tilespmem:s21+$0x1170] =	vst v11;
	v9 =	vadd.f32 v9, v14;
	v11 =	vld [tilespmem:s21+$0x1560]  }
0x115: {  	s24 =	sor.u32 s25, s24;
	[tilespmem:s21+$0x1500] =	vst v10;
	v8 =	vadd.f32 v8, v13;
	v10 =	vld [tilespmem:s21+$0x1570]  }
0x116: {  	v39 =	vld [tilespmem:s24+$0xC100];
	[tilespmem:s21+$0x1510] =	vst v9;
	v7 =	vadd.f32 v7, v12  }
0x117: {  	v40 =	vld [tilespmem:s24+$0xC110];
	[tilespmem:s21+$0x1520] =	vst v8;
	v6 =	vadd.f32 v6, v16  }
0x118: {  	v41 =	vld [tilespmem:s24+$0xC120];
	[tilespmem:s21+$0x1530] =	vst v7;
	v5 =	vadd.f32 v5, v15  }
0x119: {  	v42 =	vld [tilespmem:s24+$0xC130];
	[tilespmem:s21+$0x1540] =	vst v6;
	v4 =	vadd.f32 v4, v11  }
0x11a: {  	v43 =	vld [tilespmem:s24+$0xC140];
	[tilespmem:s21+$0x1550] =	vst v5;
	v3 =	vadd.f32 v3, v10  }
0x11b: {  	v44 =	vld [tilespmem:s24+$0xC150];
	[tilespmem:s21+$0x1560] =	vst v4  }
0x11c: {  	v45 =	vld [tilespmem:s24+$0xC160];
	[tilespmem:s21+$0x1570] =	vst v3;
	s21 =	smov.u32 s24  }
0x11d: {  	v46 =	vld [tilespmem:s21+$0xC170]  }
0x11e: {  	v47 =	vld [tilespmem:s21+$0xC500]  }
0x11f: {  	v48 =	vld [tilespmem:s21+$0xC510]  }
0x120: {  	v49 =	vld [tilespmem:s21+$0xC520]  }
0x121: {  	v50 =	vld [tilespmem:s21+$0xC530]  }
0x122: {  	v38 =	vld [tilespmem:s21+$0xC540]  }
0x123: {  	v37 =	vld [tilespmem:s21+$0xC550]  }
0x124: {  	v36 =	vld [tilespmem:s21+$0xC560]  }
0x125: {  	v35 =	vld [tilespmem:s21+$0xC570]  }
0x126: {  	v34 =	vld [tilespmem:s21+$0xC900]  }
0x127: {  	v33 =	vld [tilespmem:s21+$0xC910]  }
0x128: {  	v32 =	vld [tilespmem:s21+$0xC920]  }
0x129: {  	v31 =	vld [tilespmem:s21+$0xC930]  }
0x12a: {  	v30 =	vld [tilespmem:s21+$0xC940]  }
0x12b: {  	v29 =	vld [tilespmem:s21+$0xC950]  }
0x12c: {  	v28 =	vld [tilespmem:s21+$0xC960]  }
0x12d: {  	v27 =	vld [tilespmem:s21+$0xC970]  }
0x12e: {  	v26 =	vld [tilespmem:s21+$0xCD00]  }
0x12f: {  	v25 =	vld [tilespmem:s21+$0xCD10]  }
0x130: {  	v24 =	vld [tilespmem:s21+$0xCD20]  }
0x131: {  	v23 =	vld [tilespmem:s21+$0xCD30]  }
0x132: {  	v22 =	vld [tilespmem:s21+$0xCD40]  }
0x133: {  	v21 =	vld [tilespmem:s21+$0xCD50]  }
0x134: {  	v20 =	vld [tilespmem:s21+$0xCD60]  }
0x135: {  	v19 =	vld [tilespmem:s21+$0xCD70]  }
0x136: {  	v18 =	vld [tilespmem:s21+$0xD100]  }
0x137: {  	v17 =	vld [tilespmem:s21+$0xD110]  }
0x138: {  	v16 =	vld [tilespmem:s21+$0xD120]  }
0x139: {  	v15 =	vld [tilespmem:s21+$0xD130]  }
0x13a: {  	v14 =	vld [tilespmem:s21+$0xD140]  }
0x13b: {  	v13 =	vld [tilespmem:s21+$0xD150]  }
0x13c: {  	v12 =	vld [tilespmem:s21+$0xD160]  }
0x13d: {  	v11 =	vld [tilespmem:s21+$0xD170]  }
0x13e: {  	v10 =	vld [tilespmem:s21+$0xD500]  }
0x13f: {  	v9 =	vld [tilespmem:s21+$0xD510]  }
0x140: {  	v8 =	vld [tilespmem:s21+$0xD520]  }
0x141: {  	v7 =	vld [tilespmem:s21+$0xD530]  }
0x142: {  	v6 =	vld [tilespmem:s21+$0xD540]  }
0x143: {  	v5 =	vld [tilespmem:s21+$0xD550]  }
0x144: {  	v4 =	vld [tilespmem:s21+$0xD560]  }
0x145: {  	v3 =	vld [tilespmem:s21+$0xD570]  }
0x146: {  	v51 =	vld [tilespmem:s21+$0x100]  }
0x147: {  	v52 =	vld [tilespmem:s21+$0x110]  }
0x148: {  	v53 =	vld [tilespmem:s21+$0x120]  }
0x149: {  	v54 =	vld [tilespmem:s21+$0x130]  }
0x14a: {  	v55 =	vld [tilespmem:s21+$0x140]  }
0x14b: {  	v39 =	vadd.f32 v39, v51;
	v51 =	vld [tilespmem:s21+$0x150]  }
0x14c: {  	v40 =	vadd.f32 v40, v52;
	v52 =	vld [tilespmem:s21+$0x160]  }
0x14d: {  	[tilespmem:s21+$0x100] =	vst v39;
	v39 =	vadd.f32 v41, v53;
	v41 =	vld [tilespmem:s21+$0x170]  }
0x14e: {  	[tilespmem:s21+$0x110] =	vst v40;
	v40 =	vadd.f32 v42, v54;
	v42 =	vld [tilespmem:s21+$0x500]  }
0x14f: {  	[tilespmem:s21+$0x120] =	vst v39;
	v39 =	vadd.f32 v43, v55;
	v43 =	vld [tilespmem:s21+$0x510]  }
0x150: {  	[tilespmem:s21+$0x130] =	vst v40;
	v40 =	vadd.f32 v44, v51;
	v44 =	vld [tilespmem:s21+$0x520]  }
0x151: {  	[tilespmem:s21+$0x140] =	vst v39;
	v39 =	vadd.f32 v45, v52;
	v45 =	vld [tilespmem:s21+$0x530]  }
0x152: {  	[tilespmem:s21+$0x150] =	vst v40;
	v40 =	vadd.f32 v46, v41;
	v41 =	vld [tilespmem:s21+$0x540]  }
0x153: {  	[tilespmem:s21+$0x160] =	vst v39;
	v39 =	vadd.f32 v47, v42;
	v42 =	vld [tilespmem:s21+$0x550]  }
0x154: {  	[tilespmem:s21+$0x170] =	vst v40;
	v40 =	vadd.f32 v48, v43;
	v43 =	vld [tilespmem:s21+$0x560]  }
0x155: {  	[tilespmem:s21+$0x500] =	vst v39;
	v39 =	vadd.f32 v49, v44;
	v44 =	vld [tilespmem:s21+$0x570]  }
0x156: {  	[tilespmem:s21+$0x510] =	vst v40;
	v40 =	vadd.f32 v50, v45;
	v45 =	vld [tilespmem:s21+$0x900]  }
0x157: {  	[tilespmem:s21+$0x520] =	vst v39;
	v38 =	vadd.f32 v38, v41;
	v39 =	vld [tilespmem:s21+$0x910]  }
0x158: {  	[tilespmem:s21+$0x530] =	vst v40;
	v37 =	vadd.f32 v37, v42;
	v40 =	vld [tilespmem:s21+$0x920]  }
0x159: {  	[tilespmem:s21+$0x540] =	vst v38;
	v36 =	vadd.f32 v36, v43;
	v38 =	vld [tilespmem:s21+$0x930]  }
0x15a: {  	[tilespmem:s21+$0x550] =	vst v37;
	v35 =	vadd.f32 v35, v44;
	v37 =	vld [tilespmem:s21+$0x940]  }
0x15b: {  	[tilespmem:s21+$0x560] =	vst v36;
	v34 =	vadd.f32 v34, v45;
	v36 =	vld [tilespmem:s21+$0x950]  }
0x15c: {  	[tilespmem:s21+$0x570] =	vst v35;
	v33 =	vadd.f32 v33, v39;
	v35 =	vld [tilespmem:s21+$0x960]  }
0x15d: {  	[tilespmem:s21+$0x900] =	vst v34;
	v32 =	vadd.f32 v32, v40;
	v34 =	vld [tilespmem:s21+$0x970]  }
0x15e: {  	[tilespmem:s21+$0x910] =	vst v33;
	v31 =	vadd.f32 v31, v38;
	v33 =	vld [tilespmem:s21+$0xD00]  }
0x15f: {  	[tilespmem:s21+$0x920] =	vst v32;
	v30 =	vadd.f32 v30, v37;
	v32 =	vld [tilespmem:s21+$0xD10]  }
0x160: {  	[tilespmem:s21+$0x930] =	vst v31;
	v29 =	vadd.f32 v29, v36;
	v31 =	vld [tilespmem:s21+$0xD20]  }
0x161: {  	[tilespmem:s21+$0x940] =	vst v30;
	v28 =	vadd.f32 v28, v35;
	v30 =	vld [tilespmem:s21+$0xD30]  }
0x162: {  	[tilespmem:s21+$0x950] =	vst v29;
	v27 =	vadd.f32 v27, v34;
	v29 =	vld [tilespmem:s21+$0xD40]  }
0x163: {  	[tilespmem:s21+$0x960] =	vst v28;
	v26 =	vadd.f32 v26, v33;
	v28 =	vld [tilespmem:s21+$0xD50]  }
0x164: {  	[tilespmem:s21+$0x970] =	vst v27;
	v25 =	vadd.f32 v25, v32;
	v27 =	vld [tilespmem:s21+$0xD60]  }
0x165: {  	[tilespmem:s21+$0xD00] =	vst v26;
	v24 =	vadd.f32 v24, v31;
	v26 =	vld [tilespmem:s21+$0xD70]  }
0x166: {  	[tilespmem:s21+$0xD10] =	vst v25;
	v23 =	vadd.f32 v23, v30;
	v25 =	vld [tilespmem:s21+$0x1100]  }
0x167: {  	[tilespmem:s21+$0xD20] =	vst v24;
	v22 =	vadd.f32 v22, v29;
	v24 =	vld [tilespmem:s21+$0x1110]  }
0x168: {  	[tilespmem:s21+$0xD30] =	vst v23;
	v21 =	vadd.f32 v21, v28;
	v23 =	vld [tilespmem:s21+$0x1120]  }
0x169: {  	[tilespmem:s21+$0xD40] =	vst v22;
	v20 =	vadd.f32 v20, v27;
	v22 =	vld [tilespmem:s21+$0x1130]  }
0x16a: {  	[tilespmem:s21+$0xD50] =	vst v21;
	v19 =	vadd.f32 v19, v26;
	v21 =	vld [tilespmem:s21+$0x1140]  }
0x16b: {  	[tilespmem:s21+$0xD60] =	vst v20;
	v18 =	vadd.f32 v18, v25;
	v20 =	vld [tilespmem:s21+$0x1150]  }
0x16c: {  	[tilespmem:s21+$0xD70] =	vst v19;
	v17 =	vadd.f32 v17, v24;
	v19 =	vld [tilespmem:s21+$0x1160]  }
.Ltmp0:
0x16d: {  	[tilespmem:s21+$0x1100] =	vst v18;
	v18 =	vadd.f32 v16, v23;
	v16 =	vld [tilespmem:s21+$0x1170];
	(pc) =	sbr.rel @p0 .LBB2_2-.Ltmp0, $4  }
0x16e: {  	[tilespmem:s21+$0x1110] =	vst v17;
	v17 =	vadd.f32 v15, v22;
	v15 =	vld [tilespmem:s21+$0x1500]  }
0x16f: {  	[tilespmem:s21+$0x1120] =	vst v18;
	v21 =	vadd.f32 v14, v21;
	v14 =	vld [tilespmem:s21+$0x1510]  }
0x170: {  	[tilespmem:s21+$0x1130] =	vst v17;
	v18 =	vadd.f32 v13, v20;
	v13 =	vld [tilespmem:s21+$0x1520]  }
0x171: {  	s22 =	sadd.s32 $0x1, s22;
	[tilespmem:s21+$0x1140] =	vst v21;
	v17 =	vadd.f32 v12, v19;
	v12 =	vld [tilespmem:s21+$0x1530]  }
0x172: {  	[tilespmem:s21+$0x1150] =	vst v18;
	v60 =	vld [tilespmem:s21+$0x1540];
	v11 =	vadd.f32 v11, v16  }
0x173: {  	v61 =	vld [tilespmem:s21+$0x1550];
	[tilespmem:s21+$0x1160] =	vst v17;
	v10 =	vadd.f32 v10, v15  }
0x174: {  	v62 =	vld [tilespmem:s21+$0x1560];
	[tilespmem:s21+$0x1170] =	vst v11;
	v9 =	vadd.f32 v9, v14  }
0x175: {  	v63 =	vld [tilespmem:s21+$0x1570];
	[tilespmem:s21+$0x1500] =	vst v10;
	v8 =	vadd.f32 v8, v13  }
0x176: {  	[tilespmem:s21+$0x1510] =	vst v9;
	v7 =	vadd.f32 v7, v12  }
0x177: {  	[tilespmem:s21+$0x1520] =	vst v8;
	v6 =	vadd.f32 v6, v60  }
0x178: {  	v5 =	vadd.f32 v5, v61;
	[tilespmem:s21+$0x1530] =	vst v7  }
0x179: {  	v4 =	vadd.f32 v4, v62;
	[tilespmem:s21+$0x1540] =	vst v6  }
0x17a: {  	s20 =	sadd.s32 $0x1, s20;
	v3 =	vadd.f32 v3, v63;
	[tilespmem:s21+$0x1550] =	vst v5  }
0x17b: {  	p0 =	sne.s32 s20, s9;
	[tilespmem:s21+$0x1560] =	vst v4  }
.Ltmp1:
0x17c: {  	[tilespmem:s21+$0x1570] =	vst v3;
	(pc) =	sbr.rel @p0 .LBB2_1-.Ltmp1, $4  }
0x17d: {  	[hbm4b:s8+s2] =	stream.linear.scatter [tilespmem:s12], [sflag:$0x3], $0xC000, $0x38;
	[tilespmem:$0x18100] =	vst v63  }
0x17e: {  	_ =	swait.ge [sflag:s10], $0xC000  }
0x17f: {  	[sflag:s10] =	ssyncset.done $0x0  }
0x180: {  	[sflag:s10] =	ssyncadd.s32 $0xFFFF4000  }
0x181: {  	_ =	sfence.sel $0x180000  }
0x182: {  	[bflag:$0x0] =	sbarrier.arrive $0xFFFF  }
0x183: {  	_ =	strace $0x9000004D  }
0x184: {  	s0 =	stileid.u32;
	[bflag:$0x2] =	sbarrier.arrive $0xFFFF  }
0x185: {  	p0 =	sne.s32 s0, $0x0;
	s0 =	rddreg [dreg:$0x2]  }
0x186: {  	s0 =	sadd.s32 @!p0 $0x100000, s0  }
0x187: {  	[sflag:s0] =	ssyncadd.tile.s32 @!p0 $0x1;
	_ =	shalt  }
.Lfunc_end2:
_tile_overlayer_lowered:
.L_overlay_start_2:
0x188: {  	(tag) =	ssettag $0x2  }
0x189: {  	s0 =	rddreg [dreg:$0x0];
	s2 =	stileid.u32  }
0x18a: {  	s1 =	rddreg [dreg:$0x1];
	p0 =	sne.s32 s2, $0x0  }
0x18b: {  	s3 =	rddreg [dreg:$0x2];
	[bflag:$0x3] =	sbarrier.arrive $0xFFFF;
	s2 =	simm.s32 @!p0 $0x1C03  }
0x18c: {  	[timem:s3], [sflag:s2] =	dma.local @!p0 [hbm:s0], s1  }
0x18d: {  	s0 =	simm.s32 @!p0 $0x3  }
0x18e: {  	_ =	swait.ge @!p0 [sflag:s0], s1  }
0x18f: {  	s1 =	ssub.s32 @!p0 $0x0, s1;
	[sflag:s0] =	ssyncset.done @!p0 $0x0  }
0x190: {  	[sflag:s0] =	ssyncadd.s32 @!p0 s1  }
0x191: {  	[bflag:$0x3] =	sbarrier.arrive $0xFFFF  }
0x192: {  	_ =	shalt  }

// kernel: kernel.7.cloned.1.call-start
scs
__scs_entry_jumppad:
0x0: {  	(pc) =	sbr.rel $0x88, $3  }
0x1: {  	(tag) =	ssettag $0x0;
	lr =	simm.s32 $0x1  }
0x2: {  	[smem:$0x3F9A] =	sst lr;
	_ =	strace $0xD0000000  }
0x3: {  	_ = 	snop  }
0x4: {  	_ = 	snop  }
0x5: {  	_ = 	snop  }
0x6: {  	_ = 	snop  }
0x7: {  	_ = 	snop  }
__scs_overlays_trampoline_lowered:
0x8: {  	[smem:$0x3FA9] =	sst s0  }
0x9: {  	[smem:$0x3FAA] =	sst s1  }
0xa: {  	[smem:$0x3FAB] =	sst s2  }
0xb: {  	[smem:$0x3FAC] =	sst s3  }
0xc: {  	[smem:$0x3FAD] =	sst s4  }
0xd: {  	[smem:$0x3FAE] =	sst s5  }
0xe: {  	[smem:$0x3FAF] =	sst s6  }
0xf: {  	[smem:$0x3FB0] =	sst s7  }
0x10: {  	[smem:$0x3FB1] =	sst s8  }
0x11: {  	[smem:$0x3FB2] =	sst s9;
	s0 =	simm.s32 @!p0 $0x0  }
0x12: {  	s1 =	sld [smem:$0x3F98];
	s0 =	simm.s32 @p0 $0x1  }
0x13: {  	[smem:$0x3FB3] =	sst s0;
	s0 =	simm.s32 @!p1 $0x0  }
0x14: {  	s2 =	sld [smem:$0x3F97];
	s0 =	simm.s32 @p1 $0x1  }
0x15: {  	[smem:$0x3FB4] =	sst s0;
	s0 =	simm.s32 @!p2 $0x0  }
0x16: {  	s3 =	sld [smem:$0x3FDB];
	s0 =	simm.s32 @p2 $0x1  }
0x17: {  	s4 =	simm.s32 $0x1BF5;
	[smem:$0x3FB6] =	sst s0  }
0x18: {  	s0 =	sld [smem:$0x3F99];
	_ =	swait.ge [sflag:s4], $0x0  }
0x19: {  	s7 =	sld [smem:$0x3F9A]  }
0x1a: {  	s8 =	sadd.s32 $0xFFFFE003, lr  }
0x1b: {  	s9 =	sadd.s32 $0xFFFFFEF7, lr;
	s5 =	simm.s32 $0xFFFFFFFF;
	p2 =	slt.u32 s8, $0xFFFFF086  }
0x1c: {  	p1 =	slt.u32 s9, $0xF7A;
	s5 =	simm.s32 @!p2 $0x0  }
0x1d: {  	s5 =	simm.s32 @p1 $0x1;
	p0 =	seq.s32 s7, s2  }
0x1e: {  	s7 =	smul.u32 @!p0 $0xF7A, s2;
	p2 =	seq.s32 @!p0 s5, $0x0  }
0x1f: {  	s9 =	smul.u32 $0xF7A, s1;
	s8 =	simm.s32 @!p0 $0x1BF5;
	p2 =	por !p2, p0  }
0x20: {  	[sflag:s8] =	ssyncset.s32 @!p0 $0xFFFFF086;
	s6 =	sadd.s32 @!p0 s3, s7;
	s7 =	simm.s32 @!p0 $0x108  }
0x21: {  	s3 =	sadd.s32 s3, s9;
	s6 =	sadd.s32 @!p0 $0x88, s6;
	s7 =	simm.s32 @p2 $0x1082  }
0x22: {  	[simem:s7], [sflag:s8] =	dma.local @!p0 [hbm:s6], $0xF7A  }
0x23: {  	s9 =	sor.u32 $0xD0000000, s2;
	s6 =	simm.s32 $0x108;
	_ =	swait.ge @!p0 [sflag:s8], $0x0  }
0x24: {  	s3 =	sadd.s32 $0x88, s3;
	s6 =	simm.s32 @!p1 $0x1082;
	[sflag:s4] =	ssyncset.s32 $0xFFFFF086  }
0x25: {  	[simem:s6], [sflag:s4] =	dma.local [hbm:s3], $0xF7A  }
0x26: {  	[smem:$0x3F9A] =	sst s1;
	(tag) =	ssettag s2;
	_ =	strace s9  }
0x27: {  	s1 =	sld [smem:$0x3FAA]  }
0x28: {  	s2 =	sld [smem:$0x3FAB]  }
0x29: {  	s4 =	sld [smem:$0x3FAD]  }
0x2a: {  	p0 =	seq.s32 s5, $0x0;
	s5 =	sld [smem:$0x3FAE]  }
0x2b: {  	s6 =	sld [smem:$0x3FAF]  }
0x2c: {  	s7 =	sld [smem:$0x3FB0]  }
0x2d: {  	s3 =	simm.s32 $0x108;
	s8 =	sld [smem:$0x3FB1]  }
0x2e: {  	s3 =	simm.s32 @!p0 $0x1082;
	s9 =	sld [smem:$0x3FB2]  }
0x2f: {  	lr =	sadd.s32 s0, s3;
	s0 =	sld [smem:$0x3FA9]  }
0x30: {  	s3 =	sld [smem:$0x3FAC]  }
0x31: {  	[smem:$0x3FB5] =	sst s10  }
0x32: {  	s10 =	sld [smem:$0x3FB3];
	_ =	sdelay $0x3  }
0x33: {  	p0 =	seq.s32 s10, $0x1;
	s10 =	sld [smem:$0x3FB5];
	_ =	sdelay $0x3  }
0x34: {  	[smem:$0x3FB5] =	sst s10  }
0x35: {  	s10 =	sld [smem:$0x3FB4];
	_ =	sdelay $0x3  }
0x36: {  	p1 =	seq.s32 s10, $0x1;
	s10 =	sld [smem:$0x3FB5];
	_ =	sdelay $0x3  }
0x37: {  	[smem:$0x3FB5] =	sst s10  }
0x38: {  	s10 =	sld [smem:$0x3FB6]  }
0x39: {  	_ = 	snop;
	(pc) =	sbr.ind lr, $3  }
0x3a: {  	_ = 	snop  }
0x3b: {  	_ = 	snop  }
0x3c: {  	p2 =	seq.s32 s10, $0x1;
	s10 =	sld [smem:$0x3FB5]  }
0x3d: {  	_ =	shalt  }
0x3e: {  	_ =	shalt  }
0x3f: {  	_ =	shalt  }
0x40: {  	_ =	shalt  }
0x41: {  	_ =	shalt  }
0x42: {  	_ =	shalt  }
0x43: {  	_ =	shalt  }
0x44: {  	_ =	shalt  }
0x45: {  	_ =	shalt  }
0x46: {  	_ =	shalt  }
0x47: {  	_ =	shalt  }
0x48: {  	_ =	shalt  }
0x49: {  	_ =	shalt  }
0x4a: {  	_ =	shalt  }
0x4b: {  	_ =	shalt  }
0x4c: {  	_ =	shalt  }
0x4d: {  	_ =	shalt  }
0x4e: {  	_ =	shalt  }
0x4f: {  	_ =	shalt  }
0x50: {  	_ =	shalt  }
0x51: {  	_ =	shalt  }
0x52: {  	_ =	shalt  }
0x53: {  	_ =	shalt  }
0x54: {  	_ =	shalt  }
0x55: {  	_ =	shalt  }
0x56: {  	_ =	shalt  }
0x57: {  	_ =	shalt  }
0x58: {  	_ =	shalt  }
0x59: {  	_ =	shalt  }
0x5a: {  	_ =	shalt  }
0x5b: {  	_ =	shalt  }
0x5c: {  	_ =	shalt  }
0x5d: {  	_ =	shalt  }
0x5e: {  	_ =	shalt  }
0x5f: {  	_ =	shalt  }
0x60: {  	_ =	shalt  }
0x61: {  	_ =	shalt  }
0x62: {  	_ =	shalt  }
0x63: {  	_ =	shalt  }
0x64: {  	_ =	shalt  }
0x65: {  	_ =	shalt  }
0x66: {  	_ =	shalt  }
0x67: {  	_ =	shalt  }
0x68: {  	_ =	shalt  }
0x69: {  	_ =	shalt  }
0x6a: {  	_ =	shalt  }
0x6b: {  	_ =	shalt  }
0x6c: {  	_ =	shalt  }
0x6d: {  	_ =	shalt  }
0x6e: {  	_ =	shalt  }
0x6f: {  	_ =	shalt  }
0x70: {  	_ =	shalt  }
0x71: {  	_ =	shalt  }
0x72: {  	_ =	shalt  }
0x73: {  	_ =	shalt  }
0x74: {  	_ =	shalt  }
0x75: {  	_ =	shalt  }
0x76: {  	_ =	shalt  }
0x77: {  	_ =	shalt  }
0x78: {  	_ =	shalt  }
0x79: {  	_ =	shalt  }
0x7a: {  	_ =	shalt  }
0x7b: {  	_ =	shalt  }
0x7c: {  	_ =	shalt  }
0x7d: {  	_ =	shalt  }
0x7e: {  	_ =	shalt  }
0x7f: {  	_ =	shalt  }
0x80: {  	_ =	shalt  }
0x81: {  	_ =	shalt  }
0x82: {  	_ =	shalt  }
0x83: {  	_ =	shalt  }
0x84: {  	_ =	shalt  }
0x85: {  	_ =	shalt  }
0x86: {  	_ =	shalt  }
0x87: {  	_ =	shalt  }
.Lfunc_end0:
.L_simem_size_0:
called_computation_lowered:
.L_overlay_start_0:
0x88: {  	s2 =	sld [smem:$0x3FD9]  }
0x89: {  	s3 =	sld [smem:$0x3FFE];
	_ =	sdelay $0x1  }
0x8a: {  	s1 =	srdreg.scid  }
0x8b: {  	s0 =	sand.u32 $0x1, s1  }
0x8c: {  	s17 =	sshll.u32 s0, $0xA;
	s2 =	sadd.s32 s3, s2  }
0x8d: {  	s2 =	sadd.s32 s2, s17  }
0x8e: {  	[smem:$0x3FC1] =	sst s2  }
0x8f: {  	_ = 	snop  }
0x90: {  	s2 =	sld [smem:$0x3FD0];
	(tm) =	ssettm $0x1  }
0x91: {  	s18 =	sld [smem:$0x3FFB];
	_ =	sdelay $0x3  }
0x92: {  	_ =	strace s18  }
0x93: {  	s3 =	sld [smem:$0x3FFC];
	_ =	sdelay $0x3  }
0x94: {  	_ =	strace s3  }
0x95: {  	s3 =	sld [smem:$0x3FFD];
	_ =	sdelay $0x3  }
0x96: {  	_ =	strace s3  }
0x97: {  	_ =	strace $0x8FFFFFFF  }
0x98: {  	s19 =	sld [smem:$0x3FDB];
	_ =	sdelay $0x1  }
0x99: {  	s4 =	simm.s32 $_scs_section_size  }
0x9a: {  	s5 =	simm.s32 $_size__tile_overlayer_lowered;
	s6 =	simm.s32 $_tile_overlayer_lowered  }
0x9b: {  	s22 =	simm.s32 $0x1BFF;
	s21 =	sshll.u32 s6, $0x1;
	s3 =	sadd.s32 s4, s19  }
0x9c: {  	s7 =	simm.s32 $0x0;
	s20 =	sshll.u32 s5, $0x1;
	s5 =	sadd.s32 s21, s3  }
0x9d: {  	[timem:s7], [sflag:s22] =	dma.local [hbm:s5], s20  }
0x9e: {  	_ =	swait.ge [sflag:s22], s20  }
0x9f: {  	s4 =	ssub.s32 $0x0, s20;
	[sflag:s22] =	ssyncset.done $0x0  }
0xa0: {  	[sflag:s22] =	ssyncadd.s32 s4;
	_ =	sdelay $0x1  }
0xa1: {  	s23 =	simm.s32 $0x1B8B  }
0xa2: {  	_ =	swait.ge [sflag:s23], $0x1  }
0xa3: {  	[sflag:s23] =	ssyncset.done $0x0  }
0xa4: {  	s25 =	simm.s32 $0x1B8E;
	s24 =	sld [smem:$0x3FFE];
	[sflag:s23] =	ssyncadd.s32 $0xFFFFFFFF  }
0xa5: {  	s26 =	simm.s32 $execute0_lowered;
	[smem:$0x3FD2] =	sst s25  }
0xa6: {  	s5 =	sshll.u32 s26, $0x1;
	_ =	strace $0x80000046;
	[dreg:$0x1] =	wrdreg $0xFFFFFFFF  }
0xa7: {  	s28 =	simm.s32 $_size_execute0_lowered;
	s3 =	sadd.s32 s3, s5;
	[dreg:$0x0] =	wrdreg $0x0  }
0xa8: {  	s5 =	sshll.u32 s28, $0x1;
	[dreg:$0x2] =	wrdreg s3  }
0xa9: {  	[dreg:$0x3] =	wrdreg s5  }
0xaa: {  	[dreg:$0x4] =	wrdreg $0xC0  }
0xab: {  	_ =	task [dreg:s7], $0x5FFFF  }
0xac: {  	[dreg:$0x1] =	wrdreg $0xFFFFFFFF  }
0xad: {  	[dreg:$0x0] =	wrdreg $0x60  }
0xae: {  	[dreg:$0x2] =	wrdreg s24  }
0xaf: {  	[dreg:$0x3] =	wrdreg s2  }
0xb0: {  	[dreg:$0x4] =	wrdreg $0x9  }
0xb1: {  	_ =	task.clear_ibuf [dreg:s7], $0x5FFFF;
	_ =	strace $0x90000046  }
0xb2: {  	s29 =	simm.s32 $0x9;
	_ =	strace $0x80000048  }
0xb3: {  	_ =	swait.ge [sflag:s29], $0x1  }
0xb4: {  	[sflag:s29] =	ssyncadd.s32 $0xFFFFFFFF  }
0xb5: {  	_ =	strace $0x90000048  }
0xb6: {  	_ =	sfence  }
0xb7: {  	s30 =	sld [smem:$0x0];
	_ =	sdelay $0x2  }
0xb8: {  	s31 =	sshll.u32 s1, $0xD;
	s1 =	sshrl.u32 s1, $0x2  }
0xb9: {  	s3 =	sand.u32 $0x4000, s31;
	s1 =	sadd.s32 s1, s30  }
0xba: {  	s0 =	sor.u32 s3, s0;
	s1 =	sshll.u32 s1, $0x11  }
0xbb: {  	s0 =	sor.u32 s1, s0  }
0xbc: {  	s0 =	sadd.s32 $0x8F2B, s0  }
0xbd: {  	[sflag:s0] =	ssyncadd.remote.s32 $0x1  }
0xbe: {  	_ =	sfence.sel $0xFFFF  }
0xbf: {  	[dreg:$0x0] =	wrdreg $0xFFFFFFFF;
	(pc) =	sbr.abs _section_cstart, $3  }
0xc0: {  	[dreg:$0x1] =	wrdreg $0xFFFFFFFF  }
0xc1: {  	_ =	task.clear_ibuf [dreg:s7], $0x2FFFF;
	_ =	strace $0x9FFFFFFF  }
0xc2: {  	(tm) =	ssettm $0x7FFFFFFF  }
0xc3: {  	_ =	shalt  }
tec
execute0_lowered:
.L_overlay_start_1:
0x0: {  	(tag) =	ssettag $0x1  }
0x1: {  	s0 =	srdreg.scid  }
0x2: {  	s4 =	sand.u32 $0x1, s0;
	s0 =	stileid.u32  }
0x3: {  	s3 =	sshll.u32 s0, $0x1;
	s5 =	ssub.s32 $0x0, s4  }
0x4: {  	p0 =	sne.s32 s3, s5  }
.Ltmp0:
0x5: {  	_ = 	snop;
	(pc) =	sbr.rel @p0 .LBB2_7-.Ltmp0, $4  }
0x6: {  	_ = 	snop  }
0x7: {  	s7 =	rddreg [dreg:$0x0]  }
0x8: {  	s2 =	rddreg [dreg:$0x1]  }
0x9: {  	s1 =	rddreg [dreg:$0x2];
	_ =	strace $0x80000047  }
0xa: {  	s3 =	sadd.s32 $0x800, s7;
	s8 =	ssub.s32 $0x2, s4  }
0xb: {  	s4 =	sadd.s32 $0xA00, s7;
	s5 =	sadd.s32 $0xC00, s7;
	s6 =	sadd.s32 $0xE00, s7  }
0xc: {  	s7 =	sadd.s32 $0x1000, s7;
	s10 =	simm.s32 $0x2800;
	s11 =	simm.s32 $0x1  }
0xd: {  	s12 =	simm.s32 $0x3000;
	s13 =	simm.s32 $0x3800;
	s9 =	sshrl.u32 s8, $0x1  }
0xe: {  	s14 =	simm.s32 $0x4000;
	s15 =	simm.s32 $0x1400;
	s8 =	ssub.s32 s8, s9  }
0xf: {  	v0 =	vimm.s32 $0x0;
	v1 =	vimm.f32 $0.0e+00;
	v2 =	vlaneseq.u32;
	s16 =	simm.s32 $0x0;
	s9 =	simm.s32 $0x0;
	s8 =	smax.u32 s8, $0x1  }
.LBB2_2:
0x10: {  	[tilespmem:s10], [sflag:$0x1] =	stream.linear.gather [hbm4b:s3+s9], $0x800, $0x38;
	[tilespmem:$0x4800] =	vst v63  }
0x11: {  	_ =	swait.ge [sflag:s11], $0x800  }
0x12: {  	[sflag:s11] =	ssyncset.done $0x0  }
0x13: {  	[sflag:s11] =	ssyncadd.s32 $0xFFFFF800  }
0x14: {  	[tilespmem:s12], [sflag:$0x1] =	stream.linear.gather [hbm4b:s4+s9], $0x800, $0x38;
	[tilespmem:$0x4800] =	vst v63  }
0x15: {  	_ =	swait.ge [sflag:s11], $0x800  }
0x16: {  	[sflag:s11] =	ssyncset.done $0x0  }
0x17: {  	[sflag:s11] =	ssyncadd.s32 $0xFFFFF800  }
0x18: {  	[tilespmem:s13], [sflag:$0x1] =	stream.linear.gather [hbm4b:s5+s9], $0x800, $0x38;
	[tilespmem:$0x4800] =	vst v63  }
0x19: {  	_ =	swait.ge [sflag:s11], $0x800  }
0x1a: {  	[sflag:s11] =	ssyncset.done $0x0  }
0x1b: {  	[sflag:s11] =	ssyncadd.s32 $0xFFFFF800  }
0x1c: {  	[tilespmem:s14], [sflag:$0x1] =	stream.linear.gather [hbm4b:s6+s9], $0x800, $0x38;
	[tilespmem:$0x4800] =	vst v63  }
0x1d: {  	_ =	swait.ge [sflag:s11], $0x800  }
0x1e: {  	[sflag:s11] =	ssyncset.done $0x0  }
0x1f: {  	s17 =	simm.s32 $0x0;
	[sflag:s11] =	ssyncadd.s32 $0xFFFFF800  }
.LBB2_3:
0x20: {  	p0 =	sne.s32 s17, $0x4FC0  }
.Ltmp1:
0x21: {  	_ = 	snop;
	(pc) =	sbr.rel @p0 .LBB2_3-.Ltmp1, $4  }
0x22: {  	_ = 	snop  }
0x23: {  	s18 =	sshra.s32 s17, $0x2  }
0x24: {  	[tilespmem:s18+$0x0] =	vst v0  }
0x25: {  	s17 =	sadd.s32 $0x40, s17;
	[tilespmem:s18+$0x1400] =	vst v1  }
0x26: {  	s17 =	simm.s32 $0x0;
	s18 =	simm.s32 $0x2800  }
0x27: {  	s19 =	simm.s32 $0x3800;
	s20 =	simm.s32 $0x3000;
	s21 =	simm.s32 $0x4000  }
.LBB2_5:
0x28: {  	v3 =	vld [tilespmem:s18+$0x0];
	_ =	sdelay $0x6  }
0x29: {  	v4 =	vor.u32 s17, v2  }
0x2a: {  	[tilespmem:v3+s9+$0x0] =	vst.idx.msk $0xffff, v4  }
0x2b: {  	v5 =	vld [tilespmem:s19+$0x0];
	_ =	sdelay $0x4  }
0x2c: {  	[tilespmem:v3+s15+$0x0] =	vst.idx.msk $0xffff, v5  }
0x2d: {  	v3 =	vld [tilespmem:s20+$0x0];
	_ =	sdelay $0x7  }
0x2e: {  	[tilespmem:v3+s9+$0x0] =	vst.idx.msk $0xffff, v4  }
0x2f: {  	p0 =	sne.s32 s17, $0x7F0;
	v4 =	vld [tilespmem:s21+$0x0]  }
.Ltmp2:
0x30: {  	_ = 	snop;
	(pc) =	sbr.rel @p0 .LBB2_5-.Ltmp2, $3  }
0x31: {  	_ =	sdelay $0x1  }
0x32: {  	s18 =	sadd.s32 $0x10, s18;
	s17 =	sadd.s32 $0x10, s17  }
0x33: {  	s19 =	sadd.s32 $0x10, s19;
	s20 =	sadd.s32 $0x10, s20;
	s21 =	sadd.s32 $0x10, s21;
	[tilespmem:v3+s15+$0x0] =	vst.idx.msk $0xffff, v4  }
0x34: {  	[hbm4b:s2+s9] =	stream.linear.scatter [tilespmem:s9], [sflag:$0x1], $0x1400, $0x38;
	[tilespmem:$0x4800] =	vst v63  }
0x35: {  	s16 =	sadd.s32 $0x1, s16;
	_ =	swait.ge [sflag:s11], $0x1400  }
0x36: {  	p0 =	sne.s32 s16, s8;
	[sflag:s11] =	ssyncset.done $0x0  }
.Ltmp3:
0x37: {  	[sflag:s11] =	ssyncadd.s32 $0xFFFFEC00;
	(pc) =	sbr.rel @p0 .LBB2_2-.Ltmp3, $4  }
0x38: {  	[hbm4b:s7+s9] =	stream.linear.scatter [tilespmem:s15], [sflag:$0x1], $0x1400, $0x38;
	[tilespmem:$0x4800] =	vst v63  }
0x39: {  	_ =	swait.ge [sflag:s11], $0x1400  }
0x3a: {  	[sflag:s11] =	ssyncset.done $0x0  }
0x3b: {  	[sflag:s11] =	ssyncadd.s32 $0xFFFFEC00  }
.LBB2_7:
0x3c: {  	_ =	sfence.sel $0x180000  }
0x3d: {  	[bflag:$0x0] =	sbarrier.arrive $0xFFFF  }
0x3e: {  	p0 =	sne.s32 s0, $0x0;
	_ =	strace $0x90000047  }
0x3f: {  	s0 =	sadd.s32 @!p0 $0x100000, s1;
	[bflag:$0x2] =	sbarrier.arrive $0xFFFF  }
0x40: {  	[sflag:s0] =	ssyncadd.tile.s32 @!p0 $0x1;
	_ =	shalt  }
.Lfunc_end2:
_tile_overlayer_lowered:
.L_overlay_start_2:
0x41: {  	(tag) =	ssettag $0x2  }
0x42: {  	s0 =	rddreg [dreg:$0x0];
	s2 =	stileid.u32  }
0x43: {  	s1 =	rddreg [dreg:$0x1];
	p0 =	sne.s32 s2, $0x0  }
0x44: {  	s3 =	rddreg [dreg:$0x2];
	[bflag:$0x3] =	sbarrier.arrive $0xFFFF;
	s2 =	simm.s32 @!p0 $0x1C01  }
0x45: {  	[timem:s3], [sflag:s2] =	dma.local @!p0 [hbm:s0], s1  }
0x46: {  	s0 =	simm.s32 @!p0 $0x1  }
0x47: {  	_ =	swait.ge @!p0 [sflag:s0], s1  }
0x48: {  	s1 =	ssub.s32 @!p0 $0x0, s1;
	[sflag:s0] =	ssyncset.done @!p0 $0x0  }
0x49: {  	[sflag:s0] =	ssyncadd.s32 @!p0 s1  }
0x4a: {  	[bflag:$0x3] =	sbarrier.arrive $0xFFFF  }
0x4b: {  	_ =	shalt  }

</sc_bundles>
